<compile_context>
chip_gen: v7x
topology: tpu7x:2x2x1
jax: 0.10.2.dev20260603
libtpu: 0.0.44.dev20260713+nightly
codegen_flags: <defaults>
</compile_context>

<pallas_src>
import functools

import jax
import jax.numpy as jnp
from jax import lax
from jax.experimental import pallas as pl
from jax.experimental.pallas import tpu as pltpu
from jax.experimental.pallas import tpu_sc as plsc

N = 10000
E = 320000
D = 128
H = 128
K = 2
C = 40

NP = 10240
CH = 128
NCHUNK = 2560
EP = NCHUNK * CH
CP = 64

_MESH = plsc.VectorSubcoreMesh(
    core_axis_name="c", subcore_axis_name="s", num_cores=2, num_subcores=16
)


def _count_body(dst_flat, cnt_out, idx_v, cnt_v):
    c = lax.axis_index("c")
    s = lax.axis_index("s")
    wid = s * 2 + c
    pltpu.sync_copy(dst_flat.at[pl.ds(wid * (EP // 32), EP // 32)], idx_v)

    def zero(i, carry):
        cnt_v[pl.ds(i * 16, 16)] = jnp.zeros((16,), jnp.float32)
        return carry

    lax.fori_loop(0, NP // 16, zero, 0)

    ones = jnp.ones((16,), jnp.float32)

    def body(i, carry):
        idx = idx_v[pl.ds(i * 16, 16)]
        plsc.addupdate_scatter(cnt_v, [idx], ones)
        return carry

    lax.fori_loop(0, EP // 32 // 16, body, 0)
    pltpu.sync_copy(cnt_v, cnt_out.at[wid])


def _count_kernel(dst_flat):
    return pl.kernel(
        _count_body,
        out_type=jax.ShapeDtypeStruct((32, NP), jnp.float32),
        mesh=_MESH,
        scratch_types=[
            pltpu.VMEM((EP // 32,), jnp.int32),
            pltpu.VMEM((NP,), jnp.float32),
        ],
        compiler_params=pltpu.CompilerParams(needs_layout_passes=False),
    )(dst_flat)


def _pipelined_block(table, acc_sp, src_v, dst_v, buf0, buf1, sem0, sem1, nch):
    pltpu.async_copy(table.at[src_v.at[0]], buf0, sem0)

    def inner(jj, carry):
        j0 = 2 * jj
        pltpu.async_copy(table.at[src_v.at[j0 + 1]], buf1, sem1)
        pltpu.make_async_copy(table.at[src_v.at[j0]], buf0, sem0).wait()
        pltpu.sync_copy(buf0, acc_sp.at[dst_v.at[j0]], add=True)

        @pl.when(jj + 1 < nch // 2)
        def _():
            pltpu.async_copy(table.at[src_v.at[j0 + 2]], buf0, sem0)

        pltpu.make_async_copy(table.at[src_v.at[j0 + 1]], buf1, sem1).wait()
        pltpu.sync_copy(buf1, acc_sp.at[dst_v.at[j0 + 1]], add=True)
        return carry

    lax.fori_loop(0, nch // 2, inner, 0)


def _prop128_body(g0, g1, src2d, dst2d, zeros_hbm, acc_out,
                  src_v, dst_v, buf0, buf1, sem0, sem1, acc_sp):
    c = lax.axis_index("c")
    s = lax.axis_index("s")
    per_tile = NCHUNK // 16
    rows = NP // 16
    pltpu.sync_copy(zeros_hbm.at[pl.ds(s * rows, rows)],
                    acc_sp.at[pl.ds(s * rows, rows)])
    plsc.subcore_barrier()

    def run(table):
        def outer(ob, carry):
            base = s * per_tile + ob * _SB
            pltpu.sync_copy(src2d.at[pl.ds(base, _SB)], src_v)
            pltpu.sync_copy(dst2d.at[pl.ds(base, _SB)], dst_v)
            _pipelined_block(table, acc_sp, src_v, dst_v,
                             buf0, buf1, sem0, sem1, _SB)
            return carry

        lax.fori_loop(0, per_tile // _SB, outer, 0)

    @pl.when(c == 0)
    def _():
        run(g0)

    @pl.when(c == 1)
    def _():
        run(g1)

    plsc.subcore_barrier()
    pltpu.sync_copy(acc_sp.at[pl.ds(s * rows, rows)],
                    acc_out.at[pl.ds(c * NP + s * rows, rows)])


_SB = 32


def _prop128_kernel(g0, g1, src2d, dst2d, zeros_hbm):
    return pl.kernel(
        _prop128_body,
        out_type=jax.ShapeDtypeStruct((2 * NP, H), jnp.bfloat16),
        mesh=_MESH,
        scratch_types=[
            pltpu.VMEM((_SB, CH), jnp.int32),
            pltpu.VMEM((_SB, CH), jnp.int32),
            pltpu.VMEM((CH, H), jnp.bfloat16),
            pltpu.VMEM((CH, H), jnp.bfloat16),
            pltpu.SemaphoreType.DMA,
            pltpu.SemaphoreType.DMA,
            pltpu.VMEM_SHARED((NP, H), jnp.bfloat16),
        ],
        compiler_params=pltpu.CompilerParams(use_tc_tiling_on_sc=False),
    )(g0, g1, src2d, dst2d, zeros_hbm)


def _prop64_body(u_hbm, src2d, dst2d, zeros_hbm, acc_out,
                 src_v, dst_v, buf0, buf1, sem0, sem1, acc_sp):
    c = lax.axis_index("c")
    s = lax.axis_index("s")
    per_tile = NCHUNK // 32
    tile_base = c * (NCHUNK // 2) + s * per_tile
    rows = NP // 16
    pltpu.sync_copy(zeros_hbm.at[pl.ds(s * rows, rows)],
                    acc_sp.at[pl.ds(s * rows, rows)])
    plsc.subcore_barrier()

    def outer(ob, carry):
        base = tile_base + ob * _SB2
        pltpu.sync_copy(src2d.at[pl.ds(base, _SB2)], src_v)
        pltpu.sync_copy(dst2d.at[pl.ds(base, _SB2)], dst_v)
        _pipelined_block(u_hbm, acc_sp, src_v, dst_v,
                         buf0, buf1, sem0, sem1, _SB2)
        return carry

    lax.fori_loop(0, per_tile // _SB2, outer, 0)

    plsc.subcore_barrier()
    pltpu.sync_copy(acc_sp.at[pl.ds(s * rows, rows)],
                    acc_out.at[pl.ds(c * NP + s * rows, rows)])


_SB2 = 16


def _prop64_kernel(u, src2d, dst2d, zeros64):
    return pl.kernel(
        _prop64_body,
        out_type=jax.ShapeDtypeStruct((2 * NP, CP), jnp.bfloat16),
        mesh=_MESH,
        scratch_types=[
            pltpu.VMEM((_SB2, CH), jnp.int32),
            pltpu.VMEM((_SB2, CH), jnp.int32),
            pltpu.VMEM((CH, CP), jnp.bfloat16),
            pltpu.VMEM((CH, CP), jnp.bfloat16),
            pltpu.SemaphoreType.DMA,
            pltpu.SemaphoreType.DMA,
            pltpu.VMEM_SHARED((NP, CP), jnp.bfloat16),
        ],
        compiler_params=pltpu.CompilerParams(use_tc_tiling_on_sc=False),
    )(u, src2d, dst2d, zeros64)


_BR = 512


def _tc1_body(cnt_ref, x_ref, w_ref, g0_ref, g1_ref, dinv_ref):
    cnt = jnp.sum(cnt_ref[...], axis=0)
    dinv = lax.rsqrt(cnt + 1.0)
    dcol = dinv[:, None]
    h0 = jnp.dot(x_ref[0], w_ref[0], preferred_element_type=jnp.float32)
    h1 = jnp.dot(x_ref[1], w_ref[1], preferred_element_type=jnp.float32)
    g0_ref[...] = h0 * dcol
    g1_ref[...] = h1 * dcol
    dinv_ref[...] = dcol


def _tc1(cnt32, xp, W_hidden):
    return pl.pallas_call(
        _tc1_body,
        grid=(NP // _BR,),
        in_specs=[
            pl.BlockSpec((32, _BR), lambda i: (0, i)),
            pl.BlockSpec((K, _BR, D), lambda i: (0, i, 0)),
            pl.BlockSpec((K, D, H), lambda i: (0, 0, 0)),
        ],
        out_specs=[
            pl.BlockSpec((_BR, H), lambda i: (i, 0)),
            pl.BlockSpec((_BR, H), lambda i: (i, 0)),
            pl.BlockSpec((_BR, 1), lambda i: (i, 0)),
        ],
        out_shape=[
            jax.ShapeDtypeStruct((NP, H), jnp.float32),
            jax.ShapeDtypeStruct((NP, H), jnp.float32),
            jax.ShapeDtypeStruct((NP, 1), jnp.float32),
        ],
    )(cnt32, xp, W_hidden)


def _tc2_body(a0_ref, a1_ref, g0_ref, g1_ref, dinv_ref, b_ref, wo_ref, u_ref):
    dinv = dinv_ref[...]
    a0 = a0_ref[...].astype(jnp.float32)
    a1 = a1_ref[...].astype(jnp.float32)
    h0 = jnp.maximum((a0 + g0_ref[...]) * dinv + b_ref[0], 0.0)
    h1 = jnp.maximum((a1 + g1_ref[...]) * dinv + b_ref[1], 0.0)
    wo = wo_ref[...]
    z = jnp.dot(h0, wo[:H], preferred_element_type=jnp.float32)
    z = z + jnp.dot(h1, wo[H:], preferred_element_type=jnp.float32)
    u_ref[...] = z * dinv


def _tc2(acc, g0, g1, dinv, b_hidden, wo_pad):
    nb = NP // _BR
    return pl.pallas_call(
        _tc2_body,
        grid=(nb,),
        in_specs=[
            pl.BlockSpec((_BR, H), lambda i: (i, 0)),
            pl.BlockSpec((_BR, H), lambda i: (i + nb, 0)),
            pl.BlockSpec((_BR, H), lambda i: (i, 0)),
            pl.BlockSpec((_BR, H), lambda i: (i, 0)),
            pl.BlockSpec((_BR, 1), lambda i: (i, 0)),
            pl.BlockSpec((K, H), lambda i: (0, 0)),
            pl.BlockSpec((K * H, CP), lambda i: (0, 0)),
        ],
        out_specs=pl.BlockSpec((_BR, CP), lambda i: (i, 0)),
        out_shape=jax.ShapeDtypeStruct((NP, CP), jnp.float32),
    )(acc, acc, g0, g1, dinv, b_hidden, wo_pad)


def _tc3_body(a0_ref, a1_ref, u_ref, dinv_ref, b_ref, out_ref):
    a2 = a0_ref[...].astype(jnp.float32) + a1_ref[...].astype(jnp.float32)
    t = (a2 + u_ref[...]) * dinv_ref[...]
    out_ref[...] = t[:, :C] + b_ref[...]


def _tc3(acc2, u, dinv, b_out):
    nb = NP // _BR
    return pl.pallas_call(
        _tc3_body,
        grid=(nb,),
        in_specs=[
            pl.BlockSpec((_BR, CP), lambda i: (i, 0)),
            pl.BlockSpec((_BR, CP), lambda i: (i + nb, 0)),
            pl.BlockSpec((_BR, CP), lambda i: (i, 0)),
            pl.BlockSpec((_BR, 1), lambda i: (i, 0)),
            pl.BlockSpec((1, C), lambda i: (0, 0)),
        ],
        out_specs=pl.BlockSpec((_BR, C), lambda i: (i, 0)),
        out_shape=jax.ShapeDtypeStruct((NP, C), jnp.float32),
    )(acc2, acc2, u, dinv, b_out)


def kernel(x_list, adj, W_hidden, b_hidden, W_out, b_out):
    src = jnp.concatenate([adj[0], jnp.zeros((EP - E,), jnp.int32)])
    dst = jnp.concatenate([adj[1], jnp.full((EP - E,), NP - 1, jnp.int32)])
    src2d = src.reshape(NCHUNK, CH)
    dst2d = dst.reshape(NCHUNK, CH)
    xp = jnp.zeros((K, NP, D), jnp.float32).at[:, :N].set(x_list)
    wo_pad = jnp.zeros((K * H, CP), jnp.float32).at[:, :C].set(W_out)
    zeros128 = jnp.zeros((NP, H), jnp.bfloat16)
    zeros64 = jnp.zeros((NP, CP), jnp.bfloat16)

    cnt32 = _count_kernel(dst)
    g0, g1, dinv = _tc1(cnt32, xp, W_hidden)

    acc = _prop128_kernel(g0.astype(jnp.bfloat16), g1.astype(jnp.bfloat16),
                          src2d, dst2d, zeros128)
    u = _tc2(acc, g0, g1, dinv, b_hidden, wo_pad)

    acc2 = _prop64_kernel(u.astype(jnp.bfloat16), src2d, dst2d, zeros64)
    out = _tc3(acc2, u, dinv, b_out.reshape(1, C))
    return out[:N]

# --- scband reference (transcript-rebuilt; emitter-appended) ---
"""Pipeline reference for scband-lagcn-77129022701602 (READ-ONLY COPY).

The authoritative reference and input builder live on the scoring server;
editing this copy changes nothing except your own understanding.
"""

import jax, jax.numpy as jnp
import numpy as np

N = 10000
E = 320000
D = 128
H = 128
K = 2
C = 40


def setup_inputs(seed: int = 0) -> dict:
    key = jax.random.key(seed)
    ks = jax.random.split(key, 8)
    x_list = jax.random.normal(ks[0], (K, N, D), dtype=jnp.float32)
    adj = jax.random.randint(ks[1], (2, E), 0, N, dtype=jnp.int32)
    W_hidden = jax.random.normal(ks[2], (K, D, H), dtype=jnp.float32) * 0.05
    b_hidden = jnp.zeros((K, H), dtype=jnp.float32)
    W_out = jax.random.normal(ks[3], (K * H, C), dtype=jnp.float32) * 0.05
    b_out = jnp.zeros((C,), dtype=jnp.float32)
    return {"x_list": x_list, "adj": adj, "W_hidden": W_hidden, "b_hidden": b_hidden, "W_out": W_out, "b_out": b_out}


def gcn_conv(x, edge_index, W, b, n):
    # PyG GCNConv (eval mode): add self-loops, symmetric normalization, x @ W then propagate, add bias
    src, dst = edge_index[0], edge_index[1]
    loops = jnp.arange(n, dtype=src.dtype)
    src = jnp.concatenate([src, loops])
    dst = jnp.concatenate([dst, loops])
    ew = jnp.ones(src.shape[0], dtype=x.dtype)
    deg = jax.ops.segment_sum(ew, dst, num_segments=n)
    dinv = jnp.where(deg > 0, jax.lax.rsqrt(deg), 0.0)
    norm = dinv[src] * dinv[dst]
    h = x @ W
    msgs = h[src] * norm[:, None]
    out = jax.ops.segment_sum(msgs, dst, num_segments=n)
    return out + b


def reference(x_list, adj, W_hidden, b_hidden, W_out, b_out):
    # LAGCN forward in eval mode (F.dropout is identity when training=False)
    hidden_list = []
    for k in range(K):
        h = gcn_conv(x_list[k], adj, W_hidden[k], b_hidden[k], N)
        hidden_list.append(jax.nn.relu(h))
    x = jnp.concatenate(hidden_list, axis=-1)
    out = gcn_conv(x, adj, W_out, b_out, N)
    return out

if __name__ == "__main__":
    import jax
    _d = setup_inputs()
    print(jax.jit(kernel)(*tuple(_d.values())))

</pallas_src>

<mosaic_0001>
#map = affine_map<(d0, d1) -> (0)>
#map1 = affine_map<(d0, d1) -> (0, 0)>
module attributes {stable_mosaic.version = 14 : i64} {
  func.func @_count_body(%arg0: i32, %arg1: i32, %arg2: memref<327680xi32, #tpu.memory_space<hbm>>, %arg3: memref<32x10240xf32, #tpu.memory_space<hbm>>, %arg4: memref<10240xi32, #tpu.memory_space<vmem>>, %arg5: memref<10240xf32, #tpu.memory_space<vmem>>) attributes {dimension_semantics = [#tpu.dimension_semantics<core_parallel>, #tpu.dimension_semantics<subcore_parallel>], iteration_bounds = array<i64: 2, 16>, scalar_prefetch = 0 : i64, scratch_operands = 2 : i64, tpu.core_type = #tpu.core_type<sc_vector_subcore>, window_params = [{transform_indices = #map}, {transform_indices = #map1}]} {
    %mul3A = arith.constant 2 : i32
    %mul3A_0 = arith.muli %arg1, %mul3A : i32
    %add3A = arith.addi %mul3A_0, %arg0 : i32
    %mul3A_1 = arith.constant 10240 : i32
    %mul3A_2 = arith.muli %add3A, %mul3A_1 : i32
    "tpu.region"() ({
      %run_scoped3A = tpu.sem_alloc : memref<!tpu.dma_semaphore, #tpu.memory_space<semaphore_mem>>
      %dma_start3A = tpu.memref_slice %arg2[%mul3A_2] : memref<327680xi32, #tpu.memory_space<hbm>> -> memref<10240xi32, #tpu.memory_space<hbm>>
      %dma_start3A_15 = tpu.memref_slice %arg2[%mul3A_2] : memref<327680xi32, #tpu.memory_space<hbm>> -> memref<10240xi32, #tpu.memory_space<hbm>>
      tpu.enqueue_dma source(%dma_start3A_15 : memref<10240xi32, #tpu.memory_space<hbm>>) target(%arg4 : memref<10240xi32, #tpu.memory_space<vmem>>) target_semaphore(%run_scoped3A : memref<!tpu.dma_semaphore, #tpu.memory_space<semaphore_mem>>)
      %dma_wait3A = tpu.memref_slice %arg2[%mul3A_2] : memref<327680xi32, #tpu.memory_space<hbm>> -> memref<10240xi32, #tpu.memory_space<hbm>>
      %dma_wait3A_16 = tpu.memref_slice %arg2[%mul3A_2] : memref<327680xi32, #tpu.memory_space<hbm>> -> memref<10240xi32, #tpu.memory_space<hbm>>
      tpu.wait_dma2 semaphore(%run_scoped3A : memref<!tpu.dma_semaphore, #tpu.memory_space<semaphore_mem>>) src(%dma_wait3A_16 : memref<10240xi32, #tpu.memory_space<hbm>>) dst(%arg4 : memref<10240xi32, #tpu.memory_space<vmem>>)
      tpu.yield
    }) : () -> ()
    %scan3A = arith.constant 0 : i32
    %scan3A_3 = arith.constant 0 : i32
    %scan3A_4 = arith.constant 640 : i32
    %scan3A_5 = arith.addi %scan3A_3, %scan3A_4 : i32
    %scan3A_6 = arith.constant 1 : i32
    scf.for %scan3A_15 = %scan3A_3 to %scan3A_5 step %scan3A_6  : i32 {
      %broadcast_in_dim3A_16 = arith.constant 0.000000e+00 : f32
      %broadcast_in_dim3A_17 = vector.broadcast %broadcast_in_dim3A_16 : f32 to vector<16xf32>
      %mul3A_18 = arith.constant 16 : i32
      %mul3A_19 = arith.muli %scan3A_15, %mul3A_18 : i32
      %swap3A = arith.index_cast %mul3A_19 : i32 to index
      %swap3A_20 = tpu.vector_load %arg5[%swap3A] {strides = array<i32>} : memref<10240xf32, #tpu.memory_space<vmem>>, vector<16xf32>,
      tpu.vector_store %arg5[%swap3A], %broadcast_in_dim3A_17 {strides = array<i32>} : memref<10240xf32, #tpu.memory_space<vmem>>, vector<16xf32>,
    }
    %scan3A_7 = arith.constant 640 : i32
    %broadcast_in_dim3A = arith.constant 1.000000e+00 : f32
    %broadcast_in_dim3A_8 = vector.broadcast %broadcast_in_dim3A : f32 to vector<16xf32>
    %scan3A_9 = arith.constant 0 : i32
    %scan3A_10 = arith.constant 0 : i32
    %scan3A_11 = arith.constant 640 : i32
    %scan3A_12 = arith.addi %scan3A_10, %scan3A_11 : i32
    %scan3A_13 = arith.constant 1 : i32
    scf.for %scan3A_15 = %scan3A_10 to %scan3A_12 step %scan3A_13  : i32 {
      %mul3A_16 = arith.constant 16 : i32
      %mul3A_17 = arith.muli %scan3A_15, %mul3A_16 : i32
      %get3A = arith.index_cast %mul3A_17 : i32 to index
      %get3A_18 = tpu.vector_load %arg4[%get3A] {strides = array<i32>} : memref<10240xi32, #tpu.memory_space<vmem>>, vector<16xi32>,
      tpu.vector_store_idx %arg5[%get3A_18], %broadcast_in_dim3A_8 {add = true} : memref<10240xf32, #tpu.memory_space<vmem>>[vector<16xi32>], vector<16xf32>,
    }
    %scan3A_14 = arith.constant 640 : i32
    "tpu.region"() ({
      %run_scoped3A = tpu.sem_alloc : memref<!tpu.dma_semaphore, #tpu.memory_space<semaphore_mem>>
      %dma_start3A = arith.constant 0 : i32
      %dma_start3A_15 = tpu.memref_slice %arg3[%add3A, %dma_start3A] : memref<32x10240xf32, #tpu.memory_space<hbm>> -> memref<1x10240xf32, #tpu.memory_space<hbm>>
      %dma_start3A_16 = tpu.memref_squeeze %dma_start3A_15 : memref<1x10240xf32, #tpu.memory_space<hbm>> -> memref<10240xf32, #tpu.memory_space<hbm>>
      %dma_start3A_17 = arith.constant 0 : i32
      %dma_start3A_18 = tpu.memref_slice %arg3[%add3A, %dma_start3A_17] : memref<32x10240xf32, #tpu.memory_space<hbm>> -> memref<1x10240xf32, #tpu.memory_space<hbm>>
      %dma_start3A_19 = tpu.memref_squeeze %dma_start3A_18 : memref<1x10240xf32, #tpu.memory_space<hbm>> -> memref<10240xf32, #tpu.memory_space<hbm>>
      tpu.enqueue_dma source(%arg5 : memref<10240xf32, #tpu.memory_space<vmem>>) target(%dma_start3A_19 : memref<10240xf32, #tpu.memory_space<hbm>>) target_semaphore(%run_scoped3A : memref<!tpu.dma_semaphore, #tpu.memory_space<semaphore_mem>>)
      %dma_wait3A = arith.constant 0 : i32
      %dma_wait3A_20 = tpu.memref_slice %arg3[%add3A, %dma_wait3A] : memref<32x10240xf32, #tpu.memory_space<hbm>> -> memref<1x10240xf32, #tpu.memory_space<hbm>>
      %dma_wait3A_21 = tpu.memref_squeeze %dma_wait3A_20 : memref<1x10240xf32, #tpu.memory_space<hbm>> -> memref<10240xf32, #tpu.memory_space<hbm>>
      %dma_wait3A_22 = arith.constant 0 : i32
      %dma_wait3A_23 = tpu.memref_slice %arg3[%add3A, %dma_wait3A_22] : memref<32x10240xf32, #tpu.memory_space<hbm>> -> memref<1x10240xf32, #tpu.memory_space<hbm>>
      %dma_wait3A_24 = tpu.memref_squeeze %dma_wait3A_23 : memref<1x10240xf32, #tpu.memory_space<hbm>> -> memref<10240xf32, #tpu.memory_space<hbm>>
      tpu.wait_dma2 semaphore(%run_scoped3A : memref<!tpu.dma_semaphore, #tpu.memory_space<semaphore_mem>>) src(%arg5 : memref<10240xf32, #tpu.memory_space<vmem>>) dst(%dma_wait3A_24 : memref<10240xf32, #tpu.memory_space<hbm>>)
      tpu.yield
    }) : () -> ()
    return
  }
}

#map = affine_map<(d0, d1) -> (0, 0)>
module attributes {stable_mosaic.version = 14 : i64} {
  func.func @_prop64_body(%arg0: i32, %arg1: i32, %arg2: memref<10240x64xbf16, #tpu.memory_space<hbm>>, %arg3: memref<2560x128xi32, #tpu.memory_space<hbm>>, %arg4: memref<2560x128xi32, #tpu.memory_space<hbm>>, %arg5: memref<10240x64xbf16, #tpu.memory_space<hbm>>, %arg6: memref<20480x64xbf16, #tpu.memory_space<hbm>>, %arg7: memref<16x128xi32, #tpu.memory_space<vmem>>, %arg8: memref<16x128xi32, #tpu.memory_space<vmem>>, %arg9: memref<128x64xbf16, #tpu.memory_space<vmem>>, %arg10: memref<128x64xbf16, #tpu.memory_space<vmem>>, %arg11: memref<!tpu.dma_semaphore, #tpu.memory_space<semaphore_mem>>, %arg12: memref<!tpu.dma_semaphore, #tpu.memory_space<semaphore_mem>>, %arg13: memref<10240x64xbf16, #tpu.memory_space<vmem_shared>>) attributes {dimension_semantics = [#tpu.dimension_semantics<core_parallel>, #tpu.dimension_semantics<subcore_parallel>], iteration_bounds = array<i64: 2, 16>, scalar_prefetch = 0 : i64, scratch_operands = 7 : i64, tpu.core_type = #tpu.core_type<sc_vector_subcore>, window_params = [{transform_indices = #map}, {transform_indices = #map}, {transform_indices = #map}, {transform_indices = #map}, {transform_indices = #map}]} {
    %mul3A = arith.constant 1280 : i32
    %mul3A_0 = arith.muli %arg0, %mul3A : i32
    %mul3A_1 = arith.constant 80 : i32
    %mul3A_2 = arith.muli %arg1, %mul3A_1 : i32
    %add3A = arith.addi %mul3A_0, %mul3A_2 : i32
    %mul3A_3 = arith.constant 640 : i32
    %mul3A_4 = arith.muli %arg1, %mul3A_3 : i32
    %mul3A_5 = arith.constant 640 : i32
    %mul3A_6 = arith.muli %arg1, %mul3A_5 : i32
    "tpu.region"() ({
      %run_scoped3A = tpu.sem_alloc : memref<!tpu.dma_semaphore, #tpu.memory_space<semaphore_mem>>
      %dma_start3A = arith.constant 0 : i32
      %dma_start3A_20 = tpu.memref_slice %arg13[%mul3A_6, %dma_start3A] : memref<10240x64xbf16, #tpu.memory_space<vmem_shared>> -> memref<640x64xbf16, #tpu.memory_space<vmem_shared>>
      %dma_start3A_21 = arith.constant 0 : i32
      %dma_start3A_22 = tpu.memref_slice %arg5[%mul3A_4, %dma_start3A_21] : memref<10240x64xbf16, #tpu.memory_space<hbm>> -> memref<640x64xbf16, #tpu.memory_space<hbm>>
      tpu.enqueue_dma source(%dma_start3A_22 : memref<640x64xbf16, #tpu.memory_space<hbm>>) target(%dma_start3A_20 : memref<640x64xbf16, #tpu.memory_space<vmem_shared>>) target_semaphore(%run_scoped3A : memref<!tpu.dma_semaphore, #tpu.memory_space<semaphore_mem>>)
      %dma_wait3A = arith.constant 0 : i32
      %dma_wait3A_23 = tpu.memref_slice %arg13[%mul3A_6, %dma_wait3A] : memref<10240x64xbf16, #tpu.memory_space<vmem_shared>> -> memref<640x64xbf16, #tpu.memory_space<vmem_shared>>
      %dma_wait3A_24 = arith.constant 0 : i32
      %dma_wait3A_25 = tpu.memref_slice %arg5[%mul3A_4, %dma_wait3A_24] : memref<10240x64xbf16, #tpu.memory_space<hbm>> -> memref<640x64xbf16, #tpu.memory_space<hbm>>
      tpu.wait_dma2 semaphore(%run_scoped3A : memref<!tpu.dma_semaphore, #tpu.memory_space<semaphore_mem>>) src(%dma_wait3A_25 : memref<640x64xbf16, #tpu.memory_space<hbm>>) dst(%dma_wait3A_23 : memref<640x64xbf16, #tpu.memory_space<vmem_shared>>)
      tpu.yield
    }) : () -> ()
    %barrier3A = arith.constant 0 : index
    tpu.barrier barrier_id(%barrier3A)
    %scan3A = arith.constant 0 : i32
    %scan3A_7 = arith.constant 0 : i32
    %scan3A_8 = arith.constant 5 : i32
    %scan3A_9 = arith.addi %scan3A_7, %scan3A_8 : i32
    %scan3A_10 = arith.constant 1 : i32
    scf.for %scan3A_20 = %scan3A_7 to %scan3A_9 step %scan3A_10  : i32 {
      %mul3A_21 = arith.constant 16 : i32
      %mul3A_22 = arith.muli %scan3A_20, %mul3A_21 : i32
      %add3A_23 = arith.addi %add3A, %mul3A_22 : i32
      "tpu.region"() ({
        %run_scoped3A = tpu.sem_alloc : memref<!tpu.dma_semaphore, #tpu.memory_space<semaphore_mem>>
        %dma_start3A_36 = arith.constant 0 : i32
        %dma_start3A_37 = tpu.memref_slice %arg3[%add3A_23, %dma_start3A_36] : memref<2560x128xi32, #tpu.memory_space<hbm>> -> memref<16x128xi32, #tpu.memory_space<hbm>>
        %dma_start3A_38 = arith.constant 0 : i32
        %dma_start3A_39 = tpu.memref_slice %arg3[%add3A_23, %dma_start3A_38] : memref<2560x128xi32, #tpu.memory_space<hbm>> -> memref<16x128xi32, #tpu.memory_space<hbm>>
        tpu.enqueue_dma source(%dma_start3A_39 : memref<16x128xi32, #tpu.memory_space<hbm>>) target(%arg7 : memref<16x128xi32, #tpu.memory_space<vmem>>) target_semaphore(%run_scoped3A : memref<!tpu.dma_semaphore, #tpu.memory_space<semaphore_mem>>)
        %dma_wait3A = arith.constant 0 : i32
        %dma_wait3A_40 = tpu.memref_slice %arg3[%add3A_23, %dma_wait3A] : memref<2560x128xi32, #tpu.memory_space<hbm>> -> memref<16x128xi32, #tpu.memory_space<hbm>>
        %dma_wait3A_41 = arith.constant 0 : i32
        %dma_wait3A_42 = tpu.memref_slice %arg3[%add3A_23, %dma_wait3A_41] : memref<2560x128xi32, #tpu.memory_space<hbm>> -> memref<16x128xi32, #tpu.memory_space<hbm>>
        tpu.wait_dma2 semaphore(%run_scoped3A : memref<!tpu.dma_semaphore, #tpu.memory_space<semaphore_mem>>) src(%dma_wait3A_42 : memref<16x128xi32, #tpu.memory_space<hbm>>) dst(%arg7 : memref<16x128xi32, #tpu.memory_space<vmem>>)
        tpu.yield
      }) : () -> ()
      "tpu.region"() ({
        %run_scoped3A = tpu.sem_alloc : memref<!tpu.dma_semaphore, #tpu.memory_space<semaphore_mem>>
        %dma_start3A_36 = arith.constant 0 : i32
        %dma_start3A_37 = tpu.memref_slice %arg4[%add3A_23, %dma_start3A_36] : memref<2560x128xi32, #tpu.memory_space<hbm>> -> memref<16x128xi32, #tpu.memory_space<hbm>>
        %dma_start3A_38 = arith.constant 0 : i32
        %dma_start3A_39 = tpu.memref_slice %arg4[%add3A_23, %dma_start3A_38] : memref<2560x128xi32, #tpu.memory_space<hbm>> -> memref<16x128xi32, #tpu.memory_space<hbm>>
        tpu.enqueue_dma source(%dma_start3A_39 : memref<16x128xi32, #tpu.memory_space<hbm>>) target(%arg8 : memref<16x128xi32, #tpu.memory_space<vmem>>) target_semaphore(%run_scoped3A : memref<!tpu.dma_semaphore, #tpu.memory_space<semaphore_mem>>)
        %dma_wait3A = arith.constant 0 : i32
        %dma_wait3A_40 = tpu.memref_slice %arg4[%add3A_23, %dma_wait3A] : memref<2560x128xi32, #tpu.memory_space<hbm>> -> memref<16x128xi32, #tpu.memory_space<hbm>>
        %dma_wait3A_41 = arith.constant 0 : i32
        %dma_wait3A_42 = tpu.memref_slice %arg4[%add3A_23, %dma_wait3A_41] : memref<2560x128xi32, #tpu.memory_space<hbm>> -> memref<16x128xi32, #tpu.memory_space<hbm>>
        tpu.wait_dma2 semaphore(%run_scoped3A : memref<!tpu.dma_semaphore, #tpu.memory_space<semaphore_mem>>) src(%dma_wait3A_42 : memref<16x128xi32, #tpu.memory_space<hbm>>) dst(%arg8 : memref<16x128xi32, #tpu.memory_space<vmem>>)
        tpu.yield
      }) : () -> ()
      %dma_start3A = arith.constant 0 : i32
      %dma_start3A_24 = arith.constant 0 : i32
      %dma_start3A_25 = tpu.memref_slice %arg7[%dma_start3A, %dma_start3A_24] : memref<16x128xi32, #tpu.memory_space<vmem>> -> memref<1x128xi32, #tpu.memory_space<vmem>>
      %dma_start3A_26 = tpu.memref_squeeze %dma_start3A_25 : memref<1x128xi32, #tpu.memory_space<vmem>> -> memref<128xi32, #tpu.memory_space<vmem>>
      %dma_start3A_27 = arith.constant 0 : i32
      %dma_start3A_28 = arith.constant 0 : i32
      %dma_start3A_29 = tpu.memref_slice %arg2[%dma_start3A_27, %dma_start3A_28] : memref<10240x64xbf16, #tpu.memory_space<hbm>> -> memref<10240x64xbf16, #tpu.memory_space<hbm>>
      tpu.enqueue_indirect_dma source(%dma_start3A_29 : memref<10240x64xbf16, #tpu.memory_space<hbm>>) target(%arg9 : memref<128x64xbf16, #tpu.memory_space<vmem>>) offsets(%dma_start3A_26 : memref<128xi32, #tpu.memory_space<vmem>>) semaphore(%arg11 : memref<!tpu.dma_semaphore, #tpu.memory_space<semaphore_mem>>)
      %scan3A_30 = arith.constant 0 : i32
      %scan3A_31 = arith.constant 0 : i32
      %scan3A_32 = arith.constant 8 : i32
      %scan3A_33 = arith.addi %scan3A_31, %scan3A_32 : i32
      %scan3A_34 = arith.constant 1 : i32
      scf.for %scan3A_36 = %scan3A_31 to %scan3A_33 step %scan3A_34  : i32 {
        %mul3A_37 = arith.constant 2 : i32
        %mul3A_38 = arith.muli %mul3A_37, %scan3A_36 : i32
        %add3A_39 = arith.constant 1 : i32
        %add3A_40 = arith.addi %mul3A_38, %add3A_39 : i32
        %dma_start3A_41 = arith.constant 0 : i32
        %dma_start3A_42 = tpu.memref_slice %arg7[%add3A_40, %dma_start3A_41] : memref<16x128xi32, #tpu.memory_space<vmem>> -> memref<1x128xi32, #tpu.memory_space<vmem>>
        %dma_start3A_43 = tpu.memref_squeeze %dma_start3A_42 : memref<1x128xi32, #tpu.memory_space<vmem>> -> memref<128xi32, #tpu.memory_space<vmem>>
        %dma_start3A_44 = arith.constant 0 : i32
        %dma_start3A_45 = arith.constant 0 : i32
        %dma_start3A_46 = tpu.memref_slice %arg2[%dma_start3A_44, %dma_start3A_45] : memref<10240x64xbf16, #tpu.memory_space<hbm>> -> memref<10240x64xbf16, #tpu.memory_space<hbm>>
        tpu.enqueue_indirect_dma source(%dma_start3A_46 : memref<10240x64xbf16, #tpu.memory_space<hbm>>) target(%arg10 : memref<128x64xbf16, #tpu.memory_space<vmem>>) offsets(%dma_start3A_43 : memref<128xi32, #tpu.memory_space<vmem>>) semaphore(%arg12 : memref<!tpu.dma_semaphore, #tpu.memory_space<semaphore_mem>>)
        %dma_wait3A = arith.constant 0 : i32
        %dma_wait3A_47 = tpu.memref_slice %arg7[%mul3A_38, %dma_wait3A] : memref<16x128xi32, #tpu.memory_space<vmem>> -> memref<1x128xi32, #tpu.memory_space<vmem>>
        %dma_wait3A_48 = tpu.memref_squeeze %dma_wait3A_47 : memref<1x128xi32, #tpu.memory_space<vmem>> -> memref<128xi32, #tpu.memory_space<vmem>>
        %dma_wait3A_49 = arith.constant 0 : i32
        %dma_wait3A_50 = arith.constant 0 : i32
        %dma_wait3A_51 = tpu.memref_slice %arg2[%dma_wait3A_49, %dma_wait3A_50] : memref<10240x64xbf16, #tpu.memory_space<hbm>> -> memref<10240x64xbf16, #tpu.memory_space<hbm>>
        tpu.wait_indirect_dma semaphore(%arg11 : memref<!tpu.dma_semaphore, #tpu.memory_space<semaphore_mem>>) src(%dma_wait3A_51 : memref<10240x64xbf16, #tpu.memory_space<hbm>>) dst(%arg9 : memref<128x64xbf16, #tpu.memory_space<vmem>>)
        "tpu.region"() ({
          %run_scoped3A = tpu.sem_alloc : memref<!tpu.dma_semaphore, #tpu.memory_space<semaphore_mem>>
          %dma_start3A_66 = arith.constant 0 : i32
          %dma_start3A_67 = tpu.memref_slice %arg8[%mul3A_38, %dma_start3A_66] : memref<16x128xi32, #tpu.memory_space<vmem>> -> memref<1x128xi32, #tpu.memory_space<vmem>>
          %dma_start3A_68 = tpu.memref_squeeze %dma_start3A_67 : memref<1x128xi32, #tpu.memory_space<vmem>> -> memref<128xi32, #tpu.memory_space<vmem>>
          %dma_start3A_69 = arith.constant 0 : i32
          %dma_start3A_70 = arith.constant 0 : i32
          %dma_start3A_71 = tpu.memref_slice %arg13[%dma_start3A_69, %dma_start3A_70] : memref<10240x64xbf16, #tpu.memory_space<vmem_shared>> -> memref<10240x64xbf16, #tpu.memory_space<vmem_shared>>
          tpu.enqueue_indirect_dma source(%arg9 : memref<128x64xbf16, #tpu.memory_space<vmem>>) target(%dma_start3A_71 : memref<10240x64xbf16, #tpu.memory_space<vmem_shared>>) offsets(%dma_start3A_68 : memref<128xi32, #tpu.memory_space<vmem>>) semaphore(%run_scoped3A : memref<!tpu.dma_semaphore, #tpu.memory_space<semaphore_mem>>) {add = true}
          %dma_wait3A_72 = arith.constant 0 : i32
          %dma_wait3A_73 = tpu.memref_slice %arg8[%mul3A_38, %dma_wait3A_72] : memref<16x128xi32, #tpu.memory_space<vmem>> -> memref<1x128xi32, #tpu.memory_space<vmem>>
          %dma_wait3A_74 = tpu.memref_squeeze %dma_wait3A_73 : memref<1x128xi32, #tpu.memory_space<vmem>> -> memref<128xi32, #tpu.memory_space<vmem>>
          %dma_wait3A_75 = arith.constant 0 : i32
          %dma_wait3A_76 = arith.constant 0 : i32
          %dma_wait3A_77 = tpu.memref_slice %arg13[%dma_wait3A_75, %dma_wait3A_76] : memref<10240x64xbf16, #tpu.memory_space<vmem_shared>> -> memref<10240x64xbf16, #tpu.memory_space<vmem_shared>>
          tpu.wait_indirect_dma semaphore(%run_scoped3A : memref<!tpu.dma_semaphore, #tpu.memory_space<semaphore_mem>>) src(%arg9 : memref<128x64xbf16, #tpu.memory_space<vmem>>) dst(%dma_wait3A_77 : memref<10240x64xbf16, #tpu.memory_space<vmem_shared>>)
          tpu.yield
        }) : () -> ()
        %add3A_52 = arith.constant 1 : i32
        %add3A_53 = arith.addi %scan3A_36, %add3A_52 : i32
        %lt3A = arith.constant 8 : i32
        %lt3A_54 = arith.cmpi slt, %add3A_53, %lt3A : i32
        %convert_element_type3A = arith.extui %lt3A_54 : i1 to i32
        %cond3A = arith.constant 0 : i32
        %cond3A_55 = arith.cmpi ne, %convert_element_type3A, %cond3A : i32
        scf.if %cond3A_55 {
          %add3A_66 = arith.constant 2 : i32
          %add3A_67 = arith.addi %mul3A_38, %add3A_66 : i32
          %dma_start3A_68 = arith.constant 0 : i32
          %dma_start3A_69 = tpu.memref_slice %arg7[%add3A_67, %dma_start3A_68] : memref<16x128xi32, #tpu.memory_space<vmem>> -> memref<1x128xi32, #tpu.memory_space<vmem>>
          %dma_start3A_70 = tpu.memref_squeeze %dma_start3A_69 : memref<1x128xi32, #tpu.memory_space<vmem>> -> memref<128xi32, #tpu.memory_space<vmem>>
          %dma_start3A_71 = arith.constant 0 : i32
          %dma_start3A_72 = arith.constant 0 : i32
          %dma_start3A_73 = tpu.memref_slice %arg2[%dma_start3A_71, %dma_start3A_72] : memref<10240x64xbf16, #tpu.memory_space<hbm>> -> memref<10240x64xbf16, #tpu.memory_space<hbm>>
          tpu.enqueue_indirect_dma source(%dma_start3A_73 : memref<10240x64xbf16, #tpu.memory_space<hbm>>) target(%arg9 : memref<128x64xbf16, #tpu.memory_space<vmem>>) offsets(%dma_start3A_70 : memref<128xi32, #tpu.memory_space<vmem>>) semaphore(%arg11 : memref<!tpu.dma_semaphore, #tpu.memory_space<semaphore_mem>>)
        } else {
        }
        %add3A_56 = arith.constant 1 : i32
        %add3A_57 = arith.addi %mul3A_38, %add3A_56 : i32
        %dma_wait3A_58 = arith.constant 0 : i32
        %dma_wait3A_59 = tpu.memref_slice %arg7[%add3A_57, %dma_wait3A_58] : memref<16x128xi32, #tpu.memory_space<vmem>> -> memref<1x128xi32, #tpu.memory_space<vmem>>
        %dma_wait3A_60 = tpu.memref_squeeze %dma_wait3A_59 : memref<1x128xi32, #tpu.memory_space<vmem>> -> memref<128xi32, #tpu.memory_space<vmem>>
        %dma_wait3A_61 = arith.constant 0 : i32
        %dma_wait3A_62 = arith.constant 0 : i32
        %dma_wait3A_63 = tpu.memref_slice %arg2[%dma_wait3A_61, %dma_wait3A_62] : memref<10240x64xbf16, #tpu.memory_space<hbm>> -> memref<10240x64xbf16, #tpu.memory_space<hbm>>
        tpu.wait_indirect_dma semaphore(%arg12 : memref<!tpu.dma_semaphore, #tpu.memory_space<semaphore_mem>>) src(%dma_wait3A_63 : memref<10240x64xbf16, #tpu.memory_space<hbm>>) dst(%arg10 : memref<128x64xbf16, #tpu.memory_space<vmem>>)
        %add3A_64 = arith.constant 1 : i32
        %add3A_65 = arith.addi %mul3A_38, %add3A_64 : i32
        "tpu.region"() ({
          %run_scoped3A = tpu.sem_alloc : memref<!tpu.dma_semaphore, #tpu.memory_space<semaphore_mem>>
          %dma_start3A_66 = arith.constant 0 : i32
          %dma_start3A_67 = tpu.memref_slice %arg8[%add3A_65, %dma_start3A_66] : memref<16x128xi32, #tpu.memory_space<vmem>> -> memref<1x128xi32, #tpu.memory_space<vmem>>
          %dma_start3A_68 = tpu.memref_squeeze %dma_start3A_67 : memref<1x128xi32, #tpu.memory_space<vmem>> -> memref<128xi32, #tpu.memory_space<vmem>>
          %dma_start3A_69 = arith.constant 0 : i32
          %dma_start3A_70 = arith.constant 0 : i32
          %dma_start3A_71 = tpu.memref_slice %arg13[%dma_start3A_69, %dma_start3A_70] : memref<10240x64xbf16, #tpu.memory_space<vmem_shared>> -> memref<10240x64xbf16, #tpu.memory_space<vmem_shared>>
          tpu.enqueue_indirect_dma source(%arg10 : memref<128x64xbf16, #tpu.memory_space<vmem>>) target(%dma_start3A_71 : memref<10240x64xbf16, #tpu.memory_space<vmem_shared>>) offsets(%dma_start3A_68 : memref<128xi32, #tpu.memory_space<vmem>>) semaphore(%run_scoped3A : memref<!tpu.dma_semaphore, #tpu.memory_space<semaphore_mem>>) {add = true}
          %dma_wait3A_72 = arith.constant 0 : i32
          %dma_wait3A_73 = tpu.memref_slice %arg8[%add3A_65, %dma_wait3A_72] : memref<16x128xi32, #tpu.memory_space<vmem>> -> memref<1x128xi32, #tpu.memory_space<vmem>>
          %dma_wait3A_74 = tpu.memref_squeeze %dma_wait3A_73 : memref<1x128xi32, #tpu.memory_space<vmem>> -> memref<128xi32, #tpu.memory_space<vmem>>
          %dma_wait3A_75 = arith.constant 0 : i32
          %dma_wait3A_76 = arith.constant 0 : i32
          %dma_wait3A_77 = tpu.memref_slice %arg13[%dma_wait3A_75, %dma_wait3A_76] : memref<10240x64xbf16, #tpu.memory_space<vmem_shared>> -> memref<10240x64xbf16, #tpu.memory_space<vmem_shared>>
          tpu.wait_indirect_dma semaphore(%run_scoped3A : memref<!tpu.dma_semaphore, #tpu.memory_space<semaphore_mem>>) src(%arg10 : memref<128x64xbf16, #tpu.memory_space<vmem>>) dst(%dma_wait3A_77 : memref<10240x64xbf16, #tpu.memory_space<vmem_shared>>)
          tpu.yield
        }) : () -> ()
      }
      %scan3A_35 = arith.constant 8 : i32
    }
    %scan3A_11 = arith.constant 5 : i32
    %barrier3A_12 = arith.constant 0 : index
    tpu.barrier barrier_id(%barrier3A_12)
    %mul3A_13 = arith.constant 640 : i32
    %mul3A_14 = arith.muli %arg1, %mul3A_13 : i32
    %mul3A_15 = arith.constant 10240 : i32
    %mul3A_16 = arith.muli %arg0, %mul3A_15 : i32
    %mul3A_17 = arith.constant 640 : i32
    %mul3A_18 = arith.muli %arg1, %mul3A_17 : i32
    %add3A_19 = arith.addi %mul3A_16, %mul3A_18 : i32
    "tpu.region"() ({
      %run_scoped3A = tpu.sem_alloc : memref<!tpu.dma_semaphore, #tpu.memory_space<semaphore_mem>>
      %dma_start3A = arith.constant 0 : i32
      %dma_start3A_20 = tpu.memref_slice %arg6[%add3A_19, %dma_start3A] : memref<20480x64xbf16, #tpu.memory_space<hbm>> -> memref<640x64xbf16, #tpu.memory_space<hbm>>
      %dma_start3A_21 = arith.constant 0 : i32
      %dma_start3A_22 = tpu.memref_slice %arg13[%mul3A_14, %dma_start3A_21] : memref<10240x64xbf16, #tpu.memory_space<vmem_shared>> -> memref<640x64xbf16, #tpu.memory_space<vmem_shared>>
      tpu.enqueue_dma source(%dma_start3A_22 : memref<640x64xbf16, #tpu.memory_space<vmem_shared>>) target(%dma_start3A_20 : memref<640x64xbf16, #tpu.memory_space<hbm>>) target_semaphore(%run_scoped3A : memref<!tpu.dma_semaphore, #tpu.memory_space<semaphore_mem>>)
      %dma_wait3A = arith.constant 0 : i32
      %dma_wait3A_23 = tpu.memref_slice %arg6[%add3A_19, %dma_wait3A] : memref<20480x64xbf16, #tpu.memory_space<hbm>> -> memref<640x64xbf16, #tpu.memory_space<hbm>>
      %dma_wait3A_24 = arith.constant 0 : i32
      %dma_wait3A_25 = tpu.memref_slice %arg13[%mul3A_14, %dma_wait3A_24] : memref<10240x64xbf16, #tpu.memory_space<vmem_shared>> -> memref<640x64xbf16, #tpu.memory_space<vmem_shared>>
      tpu.wait_dma2 semaphore(%run_scoped3A : memref<!tpu.dma_semaphore, #tpu.memory_space<semaphore_mem>>) src(%dma_wait3A_25 : memref<640x64xbf16, #tpu.memory_space<vmem_shared>>) dst(%dma_wait3A_23 : memref<640x64xbf16, #tpu.memory_space<hbm>>)
      tpu.yield
    }) : () -> ()
    return
  }
}

#map = affine_map<(d0, d1) -> (0, 0)>
module attributes {stable_mosaic.version = 14 : i64} {
  func.func @_prop128_body(%arg0: i32, %arg1: i32, %arg2: memref<10240x128xbf16, #tpu.memory_space<hbm>>, %arg3: memref<10240x128xbf16, #tpu.memory_space<hbm>>, %arg4: memref<2560x128xi32, #tpu.memory_space<hbm>>, %arg5: memref<2560x128xi32, #tpu.memory_space<hbm>>, %arg6: memref<10240x128xbf16, #tpu.memory_space<hbm>>, %arg7: memref<20480x128xbf16, #tpu.memory_space<hbm>>, %arg8: memref<32x128xi32, #tpu.memory_space<vmem>>, %arg9: memref<32x128xi32, #tpu.memory_space<vmem>>, %arg10: memref<128x128xbf16, #tpu.memory_space<vmem>>, %arg11: memref<128x128xbf16, #tpu.memory_space<vmem>>, %arg12: memref<!tpu.dma_semaphore, #tpu.memory_space<semaphore_mem>>, %arg13: memref<!tpu.dma_semaphore, #tpu.memory_space<semaphore_mem>>, %arg14: memref<10240x128xbf16, #tpu.memory_space<vmem_shared>>) attributes {dimension_semantics = [#tpu.dimension_semantics<core_parallel>, #tpu.dimension_semantics<subcore_parallel>], iteration_bounds = array<i64: 2, 16>, scalar_prefetch = 0 : i64, scratch_operands = 7 : i64, tpu.core_type = #tpu.core_type<sc_vector_subcore>, window_params = [{transform_indices = #map}, {transform_indices = #map}, {transform_indices = #map}, {transform_indices = #map}, {transform_indices = #map}, {transform_indices = #map}]} {
    %mul3A = arith.constant 640 : i32
    %mul3A_0 = arith.muli %arg1, %mul3A : i32
    %mul3A_1 = arith.constant 640 : i32
    %mul3A_2 = arith.muli %arg1, %mul3A_1 : i32
    "tpu.region"() ({
      %run_scoped3A = tpu.sem_alloc : memref<!tpu.dma_semaphore, #tpu.memory_space<semaphore_mem>>
      %dma_start3A = arith.constant 0 : i32
      %dma_start3A_17 = tpu.memref_slice %arg14[%mul3A_2, %dma_start3A] : memref<10240x128xbf16, #tpu.memory_space<vmem_shared>> -> memref<640x128xbf16, #tpu.memory_space<vmem_shared>>
      %dma_start3A_18 = arith.constant 0 : i32
      %dma_start3A_19 = tpu.memref_slice %arg6[%mul3A_0, %dma_start3A_18] : memref<10240x128xbf16, #tpu.memory_space<hbm>> -> memref<640x128xbf16, #tpu.memory_space<hbm>>
      tpu.enqueue_dma source(%dma_start3A_19 : memref<640x128xbf16, #tpu.memory_space<hbm>>) target(%dma_start3A_17 : memref<640x128xbf16, #tpu.memory_space<vmem_shared>>) target_semaphore(%run_scoped3A : memref<!tpu.dma_semaphore, #tpu.memory_space<semaphore_mem>>)
      %dma_wait3A = arith.constant 0 : i32
      %dma_wait3A_20 = tpu.memref_slice %arg14[%mul3A_2, %dma_wait3A] : memref<10240x128xbf16, #tpu.memory_space<vmem_shared>> -> memref<640x128xbf16, #tpu.memory_space<vmem_shared>>
      %dma_wait3A_21 = arith.constant 0 : i32
      %dma_wait3A_22 = tpu.memref_slice %arg6[%mul3A_0, %dma_wait3A_21] : memref<10240x128xbf16, #tpu.memory_space<hbm>> -> memref<640x128xbf16, #tpu.memory_space<hbm>>
      tpu.wait_dma2 semaphore(%run_scoped3A : memref<!tpu.dma_semaphore, #tpu.memory_space<semaphore_mem>>) src(%dma_wait3A_22 : memref<640x128xbf16, #tpu.memory_space<hbm>>) dst(%dma_wait3A_20 : memref<640x128xbf16, #tpu.memory_space<vmem_shared>>)
      tpu.yield
    }) : () -> ()
    %barrier3A = arith.constant 0 : index
    tpu.barrier barrier_id(%barrier3A)
    %eq3A = arith.constant 0 : i32
    %eq3A_3 = arith.cmpi eq, %arg0, %eq3A : i32
    %convert_element_type3A = arith.extui %eq3A_3 : i1 to i32
    %cond3A = arith.constant 0 : i32
    %cond3A_4 = arith.cmpi ne, %convert_element_type3A, %cond3A : i32
    scf.if %cond3A_4 {
      %scan3A = arith.constant 0 : i32
      %scan3A_17 = arith.constant 0 : i32
      %scan3A_18 = arith.constant 5 : i32
      %scan3A_19 = arith.addi %scan3A_17, %scan3A_18 : i32
      %scan3A_20 = arith.constant 1 : i32
      scf.for %scan3A_22 = %scan3A_17 to %scan3A_19 step %scan3A_20  : i32 {
        %mul3A_23 = arith.constant 160 : i32
        %mul3A_24 = arith.muli %arg1, %mul3A_23 : i32
        %mul3A_25 = arith.constant 32 : i32
        %mul3A_26 = arith.muli %scan3A_22, %mul3A_25 : i32
        %add3A_27 = arith.addi %mul3A_24, %mul3A_26 : i32
        "tpu.region"() ({
          %run_scoped3A = tpu.sem_alloc : memref<!tpu.dma_semaphore, #tpu.memory_space<semaphore_mem>>
          %dma_start3A_40 = arith.constant 0 : i32
          %dma_start3A_41 = tpu.memref_slice %arg4[%add3A_27, %dma_start3A_40] : memref<2560x128xi32, #tpu.memory_space<hbm>> -> memref<32x128xi32, #tpu.memory_space<hbm>>
          %dma_start3A_42 = arith.constant 0 : i32
          %dma_start3A_43 = tpu.memref_slice %arg4[%add3A_27, %dma_start3A_42] : memref<2560x128xi32, #tpu.memory_space<hbm>> -> memref<32x128xi32, #tpu.memory_space<hbm>>
          tpu.enqueue_dma source(%dma_start3A_43 : memref<32x128xi32, #tpu.memory_space<hbm>>) target(%arg8 : memref<32x128xi32, #tpu.memory_space<vmem>>) target_semaphore(%run_scoped3A : memref<!tpu.dma_semaphore, #tpu.memory_space<semaphore_mem>>)
          %dma_wait3A = arith.constant 0 : i32
          %dma_wait3A_44 = tpu.memref_slice %arg4[%add3A_27, %dma_wait3A] : memref<2560x128xi32, #tpu.memory_space<hbm>> -> memref<32x128xi32, #tpu.memory_space<hbm>>
          %dma_wait3A_45 = arith.constant 0 : i32
          %dma_wait3A_46 = tpu.memref_slice %arg4[%add3A_27, %dma_wait3A_45] : memref<2560x128xi32, #tpu.memory_space<hbm>> -> memref<32x128xi32, #tpu.memory_space<hbm>>
          tpu.wait_dma2 semaphore(%run_scoped3A : memref<!tpu.dma_semaphore, #tpu.memory_space<semaphore_mem>>) src(%dma_wait3A_46 : memref<32x128xi32, #tpu.memory_space<hbm>>) dst(%arg8 : memref<32x128xi32, #tpu.memory_space<vmem>>)
          tpu.yield
        }) : () -> ()
        "tpu.region"() ({
          %run_scoped3A = tpu.sem_alloc : memref<!tpu.dma_semaphore, #tpu.memory_space<semaphore_mem>>
          %dma_start3A_40 = arith.constant 0 : i32
          %dma_start3A_41 = tpu.memref_slice %arg5[%add3A_27, %dma_start3A_40] : memref<2560x128xi32, #tpu.memory_space<hbm>> -> memref<32x128xi32, #tpu.memory_space<hbm>>
          %dma_start3A_42 = arith.constant 0 : i32
          %dma_start3A_43 = tpu.memref_slice %arg5[%add3A_27, %dma_start3A_42] : memref<2560x128xi32, #tpu.memory_space<hbm>> -> memref<32x128xi32, #tpu.memory_space<hbm>>
          tpu.enqueue_dma source(%dma_start3A_43 : memref<32x128xi32, #tpu.memory_space<hbm>>) target(%arg9 : memref<32x128xi32, #tpu.memory_space<vmem>>) target_semaphore(%run_scoped3A : memref<!tpu.dma_semaphore, #tpu.memory_space<semaphore_mem>>)
          %dma_wait3A = arith.constant 0 : i32
          %dma_wait3A_44 = tpu.memref_slice %arg5[%add3A_27, %dma_wait3A] : memref<2560x128xi32, #tpu.memory_space<hbm>> -> memref<32x128xi32, #tpu.memory_space<hbm>>
          %dma_wait3A_45 = arith.constant 0 : i32
          %dma_wait3A_46 = tpu.memref_slice %arg5[%add3A_27, %dma_wait3A_45] : memref<2560x128xi32, #tpu.memory_space<hbm>> -> memref<32x128xi32, #tpu.memory_space<hbm>>
          tpu.wait_dma2 semaphore(%run_scoped3A : memref<!tpu.dma_semaphore, #tpu.memory_space<semaphore_mem>>) src(%dma_wait3A_46 : memref<32x128xi32, #tpu.memory_space<hbm>>) dst(%arg9 : memref<32x128xi32, #tpu.memory_space<vmem>>)
          tpu.yield
        }) : () -> ()
        %dma_start3A = arith.constant 0 : i32
        %dma_start3A_28 = arith.constant 0 : i32
        %dma_start3A_29 = tpu.memref_slice %arg8[%dma_start3A, %dma_start3A_28] : memref<32x128xi32, #tpu.memory_space<vmem>> -> memref<1x128xi32, #tpu.memory_space<vmem>>
        %dma_start3A_30 = tpu.memref_squeeze %dma_start3A_29 : memref<1x128xi32, #tpu.memory_space<vmem>> -> memref<128xi32, #tpu.memory_space<vmem>>
        %dma_start3A_31 = arith.constant 0 : i32
        %dma_start3A_32 = arith.constant 0 : i32
        %dma_start3A_33 = tpu.memref_slice %arg2[%dma_start3A_31, %dma_start3A_32] : memref<10240x128xbf16, #tpu.memory_space<hbm>> -> memref<10240x128xbf16, #tpu.memory_space<hbm>>
        tpu.enqueue_indirect_dma source(%dma_start3A_33 : memref<10240x128xbf16, #tpu.memory_space<hbm>>) target(%arg10 : memref<128x128xbf16, #tpu.memory_space<vmem>>) offsets(%dma_start3A_30 : memref<128xi32, #tpu.memory_space<vmem>>) semaphore(%arg12 : memref<!tpu.dma_semaphore, #tpu.memory_space<semaphore_mem>>)
        %scan3A_34 = arith.constant 0 : i32
        %scan3A_35 = arith.constant 0 : i32
        %scan3A_36 = arith.constant 16 : i32
        %scan3A_37 = arith.addi %scan3A_35, %scan3A_36 : i32
        %scan3A_38 = arith.constant 1 : i32
        scf.for %scan3A_40 = %scan3A_35 to %scan3A_37 step %scan3A_38  : i32 {
          %mul3A_41 = arith.constant 2 : i32
          %mul3A_42 = arith.muli %mul3A_41, %scan3A_40 : i32
          %add3A_43 = arith.constant 1 : i32
          %add3A_44 = arith.addi %mul3A_42, %add3A_43 : i32
          %dma_start3A_45 = arith.constant 0 : i32
          %dma_start3A_46 = tpu.memref_slice %arg8[%add3A_44, %dma_start3A_45] : memref<32x128xi32, #tpu.memory_space<vmem>> -> memref<1x128xi32, #tpu.memory_space<vmem>>
          %dma_start3A_47 = tpu.memref_squeeze %dma_start3A_46 : memref<1x128xi32, #tpu.memory_space<vmem>> -> memref<128xi32, #tpu.memory_space<vmem>>
          %dma_start3A_48 = arith.constant 0 : i32
          %dma_start3A_49 = arith.constant 0 : i32
          %dma_start3A_50 = tpu.memref_slice %arg2[%dma_start3A_48, %dma_start3A_49] : memref<10240x128xbf16, #tpu.memory_space<hbm>> -> memref<10240x128xbf16, #tpu.memory_space<hbm>>
          tpu.enqueue_indirect_dma source(%dma_start3A_50 : memref<10240x128xbf16, #tpu.memory_space<hbm>>) target(%arg11 : memref<128x128xbf16, #tpu.memory_space<vmem>>) offsets(%dma_start3A_47 : memref<128xi32, #tpu.memory_space<vmem>>) semaphore(%arg13 : memref<!tpu.dma_semaphore, #tpu.memory_space<semaphore_mem>>)
          %dma_wait3A = arith.constant 0 : i32
          %dma_wait3A_51 = tpu.memref_slice %arg8[%mul3A_42, %dma_wait3A] : memref<32x128xi32, #tpu.memory_space<vmem>> -> memref<1x128xi32, #tpu.memory_space<vmem>>
          %dma_wait3A_52 = tpu.memref_squeeze %dma_wait3A_51 : memref<1x128xi32, #tpu.memory_space<vmem>> -> memref<128xi32, #tpu.memory_space<vmem>>
          %dma_wait3A_53 = arith.constant 0 : i32
          %dma_wait3A_54 = arith.constant 0 : i32
          %dma_wait3A_55 = tpu.memref_slice %arg2[%dma_wait3A_53, %dma_wait3A_54] : memref<10240x128xbf16, #tpu.memory_space<hbm>> -> memref<10240x128xbf16, #tpu.memory_space<hbm>>
          tpu.wait_indirect_dma semaphore(%arg12 : memref<!tpu.dma_semaphore, #tpu.memory_space<semaphore_mem>>) src(%dma_wait3A_55 : memref<10240x128xbf16, #tpu.memory_space<hbm>>) dst(%arg10 : memref<128x128xbf16, #tpu.memory_space<vmem>>)
          "tpu.region"() ({
            %run_scoped3A = tpu.sem_alloc : memref<!tpu.dma_semaphore, #tpu.memory_space<semaphore_mem>>
            %dma_start3A_72 = arith.constant 0 : i32
            %dma_start3A_73 = tpu.memref_slice %arg9[%mul3A_42, %dma_start3A_72] : memref<32x128xi32, #tpu.memory_space<vmem>> -> memref<1x128xi32, #tpu.memory_space<vmem>>
            %dma_start3A_74 = tpu.memref_squeeze %dma_start3A_73 : memref<1x128xi32, #tpu.memory_space<vmem>> -> memref<128xi32, #tpu.memory_space<vmem>>
            %dma_start3A_75 = arith.constant 0 : i32
            %dma_start3A_76 = arith.constant 0 : i32
            %dma_start3A_77 = tpu.memref_slice %arg14[%dma_start3A_75, %dma_start3A_76] : memref<10240x128xbf16, #tpu.memory_space<vmem_shared>> -> memref<10240x128xbf16, #tpu.memory_space<vmem_shared>>
            tpu.enqueue_indirect_dma source(%arg10 : memref<128x128xbf16, #tpu.memory_space<vmem>>) target(%dma_start3A_77 : memref<10240x128xbf16, #tpu.memory_space<vmem_shared>>) offsets(%dma_start3A_74 : memref<128xi32, #tpu.memory_space<vmem>>) semaphore(%run_scoped3A : memref<!tpu.dma_semaphore, #tpu.memory_space<semaphore_mem>>) {add = true}
            %dma_wait3A_78 = arith.constant 0 : i32
            %dma_wait3A_79 = tpu.memref_slice %arg9[%mul3A_42, %dma_wait3A_78] : memref<32x128xi32, #tpu.memory_space<vmem>> -> memref<1x128xi32, #tpu.memory_space<vmem>>
            %dma_wait3A_80 = tpu.memref_squeeze %dma_wait3A_79 : memref<1x128xi32, #tpu.memory_space<vmem>> -> memref<128xi32, #tpu.memory_space<vmem>>
            %dma_wait3A_81 = arith.constant 0 : i32
            %dma_wait3A_82 = arith.constant 0 : i32
            %dma_wait3A_83 = tpu.memref_slice %arg14[%dma_wait3A_81, %dma_wait3A_82] : memref<10240x128xbf16, #tpu.memory_space<vmem_shared>> -> memref<10240x128xbf16, #tpu.memory_space<vmem_shared>>
            tpu.wait_indirect_dma semaphore(%run_scoped3A : memref<!tpu.dma_semaphore, #tpu.memory_space<semaphore_mem>>) src(%arg10 : memref<128x128xbf16, #tpu.memory_space<vmem>>) dst(%dma_wait3A_83 : memref<10240x128xbf16, #tpu.memory_space<vmem_shared>>)
            tpu.yield
          }) : () -> ()
          %add3A_56 = arith.constant 1 : i32
          %add3A_57 = arith.addi %scan3A_40, %add3A_56 : i32
          %lt3A = arith.constant 16 : i32
          %lt3A_58 = arith.cmpi slt, %add3A_57, %lt3A : i32
          %convert_element_type3A_59 = arith.extui %lt3A_58 : i1 to i32
          %cond3A_60 = arith.constant 0 : i32
          %cond3A_61 = arith.cmpi ne, %convert_element_type3A_59, %cond3A_60 : i32
          scf.if %cond3A_61 {
            %add3A_72 = arith.constant 2 : i32
            %add3A_73 = arith.addi %mul3A_42, %add3A_72 : i32
            %dma_start3A_74 = arith.constant 0 : i32
            %dma_start3A_75 = tpu.memref_slice %arg8[%add3A_73, %dma_start3A_74] : memref<32x128xi32, #tpu.memory_space<vmem>> -> memref<1x128xi32, #tpu.memory_space<vmem>>
            %dma_start3A_76 = tpu.memref_squeeze %dma_start3A_75 : memref<1x128xi32, #tpu.memory_space<vmem>> -> memref<128xi32, #tpu.memory_space<vmem>>
            %dma_start3A_77 = arith.constant 0 : i32
            %dma_start3A_78 = arith.constant 0 : i32
            %dma_start3A_79 = tpu.memref_slice %arg2[%dma_start3A_77, %dma_start3A_78] : memref<10240x128xbf16, #tpu.memory_space<hbm>> -> memref<10240x128xbf16, #tpu.memory_space<hbm>>
            tpu.enqueue_indirect_dma source(%dma_start3A_79 : memref<10240x128xbf16, #tpu.memory_space<hbm>>) target(%arg10 : memref<128x128xbf16, #tpu.memory_space<vmem>>) offsets(%dma_start3A_76 : memref<128xi32, #tpu.memory_space<vmem>>) semaphore(%arg12 : memref<!tpu.dma_semaphore, #tpu.memory_space<semaphore_mem>>)
          } else {
          }
          %add3A_62 = arith.constant 1 : i32
          %add3A_63 = arith.addi %mul3A_42, %add3A_62 : i32
          %dma_wait3A_64 = arith.constant 0 : i32
          %dma_wait3A_65 = tpu.memref_slice %arg8[%add3A_63, %dma_wait3A_64] : memref<32x128xi32, #tpu.memory_space<vmem>> -> memref<1x128xi32, #tpu.memory_space<vmem>>
          %dma_wait3A_66 = tpu.memref_squeeze %dma_wait3A_65 : memref<1x128xi32, #tpu.memory_space<vmem>> -> memref<128xi32, #tpu.memory_space<vmem>>
          %dma_wait3A_67 = arith.constant 0 : i32
          %dma_wait3A_68 = arith.constant 0 : i32
          %dma_wait3A_69 = tpu.memref_slice %arg2[%dma_wait3A_67, %dma_wait3A_68] : memref<10240x128xbf16, #tpu.memory_space<hbm>> -> memref<10240x128xbf16, #tpu.memory_space<hbm>>
          tpu.wait_indirect_dma semaphore(%arg13 : memref<!tpu.dma_semaphore, #tpu.memory_space<semaphore_mem>>) src(%dma_wait3A_69 : memref<10240x128xbf16, #tpu.memory_space<hbm>>) dst(%arg11 : memref<128x128xbf16, #tpu.memory_space<vmem>>)
          %add3A_70 = arith.constant 1 : i32
          %add3A_71 = arith.addi %mul3A_42, %add3A_70 : i32
          "tpu.region"() ({
            %run_scoped3A = tpu.sem_alloc : memref<!tpu.dma_semaphore, #tpu.memory_space<semaphore_mem>>
            %dma_start3A_72 = arith.constant 0 : i32
            %dma_start3A_73 = tpu.memref_slice %arg9[%add3A_71, %dma_start3A_72] : memref<32x128xi32, #tpu.memory_space<vmem>> -> memref<1x128xi32, #tpu.memory_space<vmem>>
            %dma_start3A_74 = tpu.memref_squeeze %dma_start3A_73 : memref<1x128xi32, #tpu.memory_space<vmem>> -> memref<128xi32, #tpu.memory_space<vmem>>
            %dma_start3A_75 = arith.constant 0 : i32
            %dma_start3A_76 = arith.constant 0 : i32
            %dma_start3A_77 = tpu.memref_slice %arg14[%dma_start3A_75, %dma_start3A_76] : memref<10240x128xbf16, #tpu.memory_space<vmem_shared>> -> memref<10240x128xbf16, #tpu.memory_space<vmem_shared>>
            tpu.enqueue_indirect_dma source(%arg11 : memref<128x128xbf16, #tpu.memory_space<vmem>>) target(%dma_start3A_77 : memref<10240x128xbf16, #tpu.memory_space<vmem_shared>>) offsets(%dma_start3A_74 : memref<128xi32, #tpu.memory_space<vmem>>) semaphore(%run_scoped3A : memref<!tpu.dma_semaphore, #tpu.memory_space<semaphore_mem>>) {add = true}
            %dma_wait3A_78 = arith.constant 0 : i32
            %dma_wait3A_79 = tpu.memref_slice %arg9[%add3A_71, %dma_wait3A_78] : memref<32x128xi32, #tpu.memory_space<vmem>> -> memref<1x128xi32, #tpu.memory_space<vmem>>
            %dma_wait3A_80 = tpu.memref_squeeze %dma_wait3A_79 : memref<1x128xi32, #tpu.memory_space<vmem>> -> memref<128xi32, #tpu.memory_space<vmem>>
            %dma_wait3A_81 = arith.constant 0 : i32
            %dma_wait3A_82 = arith.constant 0 : i32
            %dma_wait3A_83 = tpu.memref_slice %arg14[%dma_wait3A_81, %dma_wait3A_82] : memref<10240x128xbf16, #tpu.memory_space<vmem_shared>> -> memref<10240x128xbf16, #tpu.memory_space<vmem_shared>>
            tpu.wait_indirect_dma semaphore(%run_scoped3A : memref<!tpu.dma_semaphore, #tpu.memory_space<semaphore_mem>>) src(%arg11 : memref<128x128xbf16, #tpu.memory_space<vmem>>) dst(%dma_wait3A_83 : memref<10240x128xbf16, #tpu.memory_space<vmem_shared>>)
            tpu.yield
          }) : () -> ()
        }
        %scan3A_39 = arith.constant 16 : i32
      }
      %scan3A_21 = arith.constant 5 : i32
    } else {
    }
    %eq3A_5 = arith.constant 1 : i32
    %eq3A_6 = arith.cmpi eq, %arg0, %eq3A_5 : i32
    %convert_element_type3A_7 = arith.extui %eq3A_6 : i1 to i32
    %cond3A_8 = arith.constant 0 : i32
    %cond3A_9 = arith.cmpi ne, %convert_element_type3A_7, %cond3A_8 : i32
    scf.if %cond3A_9 {
      %scan3A = arith.constant 0 : i32
      %scan3A_17 = arith.constant 0 : i32
      %scan3A_18 = arith.constant 5 : i32
      %scan3A_19 = arith.addi %scan3A_17, %scan3A_18 : i32
      %scan3A_20 = arith.constant 1 : i32
      scf.for %scan3A_22 = %scan3A_17 to %scan3A_19 step %scan3A_20  : i32 {
        %mul3A_23 = arith.constant 160 : i32
        %mul3A_24 = arith.muli %arg1, %mul3A_23 : i32
        %mul3A_25 = arith.constant 32 : i32
        %mul3A_26 = arith.muli %scan3A_22, %mul3A_25 : i32
        %add3A_27 = arith.addi %mul3A_24, %mul3A_26 : i32
        "tpu.region"() ({
          %run_scoped3A = tpu.sem_alloc : memref<!tpu.dma_semaphore, #tpu.memory_space<semaphore_mem>>
          %dma_start3A_40 = arith.constant 0 : i32
          %dma_start3A_41 = tpu.memref_slice %arg4[%add3A_27, %dma_start3A_40] : memref<2560x128xi32, #tpu.memory_space<hbm>> -> memref<32x128xi32, #tpu.memory_space<hbm>>
          %dma_start3A_42 = arith.constant 0 : i32
          %dma_start3A_43 = tpu.memref_slice %arg4[%add3A_27, %dma_start3A_42] : memref<2560x128xi32, #tpu.memory_space<hbm>> -> memref<32x128xi32, #tpu.memory_space<hbm>>
          tpu.enqueue_dma source(%dma_start3A_43 : memref<32x128xi32, #tpu.memory_space<hbm>>) target(%arg8 : memref<32x128xi32, #tpu.memory_space<vmem>>) target_semaphore(%run_scoped3A : memref<!tpu.dma_semaphore, #tpu.memory_space<semaphore_mem>>)
          %dma_wait3A = arith.constant 0 : i32
          %dma_wait3A_44 = tpu.memref_slice %arg4[%add3A_27, %dma_wait3A] : memref<2560x128xi32, #tpu.memory_space<hbm>> -> memref<32x128xi32, #tpu.memory_space<hbm>>
          %dma_wait3A_45 = arith.constant 0 : i32
          %dma_wait3A_46 = tpu.memref_slice %arg4[%add3A_27, %dma_wait3A_45] : memref<2560x128xi32, #tpu.memory_space<hbm>> -> memref<32x128xi32, #tpu.memory_space<hbm>>
          tpu.wait_dma2 semaphore(%run_scoped3A : memref<!tpu.dma_semaphore, #tpu.memory_space<semaphore_mem>>) src(%dma_wait3A_46 : memref<32x128xi32, #tpu.memory_space<hbm>>) dst(%arg8 : memref<32x128xi32, #tpu.memory_space<vmem>>)
          tpu.yield
        }) : () -> ()
        "tpu.region"() ({
          %run_scoped3A = tpu.sem_alloc : memref<!tpu.dma_semaphore, #tpu.memory_space<semaphore_mem>>
          %dma_start3A_40 = arith.constant 0 : i32
          %dma_start3A_41 = tpu.memref_slice %arg5[%add3A_27, %dma_start3A_40] : memref<2560x128xi32, #tpu.memory_space<hbm>> -> memref<32x128xi32, #tpu.memory_space<hbm>>
          %dma_start3A_42 = arith.constant 0 : i32
          %dma_start3A_43 = tpu.memref_slice %arg5[%add3A_27, %dma_start3A_42] : memref<2560x128xi32, #tpu.memory_space<hbm>> -> memref<32x128xi32, #tpu.memory_space<hbm>>
          tpu.enqueue_dma source(%dma_start3A_43 : memref<32x128xi32, #tpu.memory_space<hbm>>) target(%arg9 : memref<32x128xi32, #tpu.memory_space<vmem>>) target_semaphore(%run_scoped3A : memref<!tpu.dma_semaphore, #tpu.memory_space<semaphore_mem>>)
          %dma_wait3A = arith.constant 0 : i32
          %dma_wait3A_44 = tpu.memref_slice %arg5[%add3A_27, %dma_wait3A] : memref<2560x128xi32, #tpu.memory_space<hbm>> -> memref<32x128xi32, #tpu.memory_space<hbm>>
          %dma_wait3A_45 = arith.constant 0 : i32
          %dma_wait3A_46 = tpu.memref_slice %arg5[%add3A_27, %dma_wait3A_45] : memref<2560x128xi32, #tpu.memory_space<hbm>> -> memref<32x128xi32, #tpu.memory_space<hbm>>
          tpu.wait_dma2 semaphore(%run_scoped3A : memref<!tpu.dma_semaphore, #tpu.memory_space<semaphore_mem>>) src(%dma_wait3A_46 : memref<32x128xi32, #tpu.memory_space<hbm>>) dst(%arg9 : memref<32x128xi32, #tpu.memory_space<vmem>>)
          tpu.yield
        }) : () -> ()
        %dma_start3A = arith.constant 0 : i32
        %dma_start3A_28 = arith.constant 0 : i32
        %dma_start3A_29 = tpu.memref_slice %arg8[%dma_start3A, %dma_start3A_28] : memref<32x128xi32, #tpu.memory_space<vmem>> -> memref<1x128xi32, #tpu.memory_space<vmem>>
        %dma_start3A_30 = tpu.memref_squeeze %dma_start3A_29 : memref<1x128xi32, #tpu.memory_space<vmem>> -> memref<128xi32, #tpu.memory_space<vmem>>
        %dma_start3A_31 = arith.constant 0 : i32
        %dma_start3A_32 = arith.constant 0 : i32
        %dma_start3A_33 = tpu.memref_slice %arg3[%dma_start3A_31, %dma_start3A_32] : memref<10240x128xbf16, #tpu.memory_space<hbm>> -> memref<10240x128xbf16, #tpu.memory_space<hbm>>
        tpu.enqueue_indirect_dma source(%dma_start3A_33 : memref<10240x128xbf16, #tpu.memory_space<hbm>>) target(%arg10 : memref<128x128xbf16, #tpu.memory_space<vmem>>) offsets(%dma_start3A_30 : memref<128xi32, #tpu.memory_space<vmem>>) semaphore(%arg12 : memref<!tpu.dma_semaphore, #tpu.memory_space<semaphore_mem>>)
        %scan3A_34 = arith.constant 0 : i32
        %scan3A_35 = arith.constant 0 : i32
        %scan3A_36 = arith.constant 16 : i32
        %scan3A_37 = arith.addi %scan3A_35, %scan3A_36 : i32
        %scan3A_38 = arith.constant 1 : i32
        scf.for %scan3A_40 = %scan3A_35 to %scan3A_37 step %scan3A_38  : i32 {
          %mul3A_41 = arith.constant 2 : i32
          %mul3A_42 = arith.muli %mul3A_41, %scan3A_40 : i32
          %add3A_43 = arith.constant 1 : i32
          %add3A_44 = arith.addi %mul3A_42, %add3A_43 : i32
          %dma_start3A_45 = arith.constant 0 : i32
          %dma_start3A_46 = tpu.memref_slice %arg8[%add3A_44, %dma_start3A_45] : memref<32x128xi32, #tpu.memory_space<vmem>> -> memref<1x128xi32, #tpu.memory_space<vmem>>
          %dma_start3A_47 = tpu.memref_squeeze %dma_start3A_46 : memref<1x128xi32, #tpu.memory_space<vmem>> -> memref<128xi32, #tpu.memory_space<vmem>>
          %dma_start3A_48 = arith.constant 0 : i32
          %dma_start3A_49 = arith.constant 0 : i32
          %dma_start3A_50 = tpu.memref_slice %arg3[%dma_start3A_48, %dma_start3A_49] : memref<10240x128xbf16, #tpu.memory_space<hbm>> -> memref<10240x128xbf16, #tpu.memory_space<hbm>>
          tpu.enqueue_indirect_dma source(%dma_start3A_50 : memref<10240x128xbf16, #tpu.memory_space<hbm>>) target(%arg11 : memref<128x128xbf16, #tpu.memory_space<vmem>>) offsets(%dma_start3A_47 : memref<128xi32, #tpu.memory_space<vmem>>) semaphore(%arg13 : memref<!tpu.dma_semaphore, #tpu.memory_space<semaphore_mem>>)
          %dma_wait3A = arith.constant 0 : i32
          %dma_wait3A_51 = tpu.memref_slice %arg8[%mul3A_42, %dma_wait3A] : memref<32x128xi32, #tpu.memory_space<vmem>> -> memref<1x128xi32, #tpu.memory_space<vmem>>
          %dma_wait3A_52 = tpu.memref_squeeze %dma_wait3A_51 : memref<1x128xi32, #tpu.memory_space<vmem>> -> memref<128xi32, #tpu.memory_space<vmem>>
          %dma_wait3A_53 = arith.constant 0 : i32
          %dma_wait3A_54 = arith.constant 0 : i32
          %dma_wait3A_55 = tpu.memref_slice %arg3[%dma_wait3A_53, %dma_wait3A_54] : memref<10240x128xbf16, #tpu.memory_space<hbm>> -> memref<10240x128xbf16, #tpu.memory_space<hbm>>
          tpu.wait_indirect_dma semaphore(%arg12 : memref<!tpu.dma_semaphore, #tpu.memory_space<semaphore_mem>>) src(%dma_wait3A_55 : memref<10240x128xbf16, #tpu.memory_space<hbm>>) dst(%arg10 : memref<128x128xbf16, #tpu.memory_space<vmem>>)
          "tpu.region"() ({
            %run_scoped3A = tpu.sem_alloc : memref<!tpu.dma_semaphore, #tpu.memory_space<semaphore_mem>>
            %dma_start3A_72 = arith.constant 0 : i32
            %dma_start3A_73 = tpu.memref_slice %arg9[%mul3A_42, %dma_start3A_72] : memref<32x128xi32, #tpu.memory_space<vmem>> -> memref<1x128xi32, #tpu.memory_space<vmem>>
            %dma_start3A_74 = tpu.memref_squeeze %dma_start3A_73 : memref<1x128xi32, #tpu.memory_space<vmem>> -> memref<128xi32, #tpu.memory_space<vmem>>
            %dma_start3A_75 = arith.constant 0 : i32
            %dma_start3A_76 = arith.constant 0 : i32
            %dma_start3A_77 = tpu.memref_slice %arg14[%dma_start3A_75, %dma_start3A_76] : memref<10240x128xbf16, #tpu.memory_space<vmem_shared>> -> memref<10240x128xbf16, #tpu.memory_space<vmem_shared>>
            tpu.enqueue_indirect_dma source(%arg10 : memref<128x128xbf16, #tpu.memory_space<vmem>>) target(%dma_start3A_77 : memref<10240x128xbf16, #tpu.memory_space<vmem_shared>>) offsets(%dma_start3A_74 : memref<128xi32, #tpu.memory_space<vmem>>) semaphore(%run_scoped3A : memref<!tpu.dma_semaphore, #tpu.memory_space<semaphore_mem>>) {add = true}
            %dma_wait3A_78 = arith.constant 0 : i32
            %dma_wait3A_79 = tpu.memref_slice %arg9[%mul3A_42, %dma_wait3A_78] : memref<32x128xi32, #tpu.memory_space<vmem>> -> memref<1x128xi32, #tpu.memory_space<vmem>>
            %dma_wait3A_80 = tpu.memref_squeeze %dma_wait3A_79 : memref<1x128xi32, #tpu.memory_space<vmem>> -> memref<128xi32, #tpu.memory_space<vmem>>
            %dma_wait3A_81 = arith.constant 0 : i32
            %dma_wait3A_82 = arith.constant 0 : i32
            %dma_wait3A_83 = tpu.memref_slice %arg14[%dma_wait3A_81, %dma_wait3A_82] : memref<10240x128xbf16, #tpu.memory_space<vmem_shared>> -> memref<10240x128xbf16, #tpu.memory_space<vmem_shared>>
            tpu.wait_indirect_dma semaphore(%run_scoped3A : memref<!tpu.dma_semaphore, #tpu.memory_space<semaphore_mem>>) src(%arg10 : memref<128x128xbf16, #tpu.memory_space<vmem>>) dst(%dma_wait3A_83 : memref<10240x128xbf16, #tpu.memory_space<vmem_shared>>)
            tpu.yield
          }) : () -> ()
          %add3A_56 = arith.constant 1 : i32
          %add3A_57 = arith.addi %scan3A_40, %add3A_56 : i32
          %lt3A = arith.constant 16 : i32
          %lt3A_58 = arith.cmpi slt, %add3A_57, %lt3A : i32
          %convert_element_type3A_59 = arith.extui %lt3A_58 : i1 to i32
          %cond3A_60 = arith.constant 0 : i32
          %cond3A_61 = arith.cmpi ne, %convert_element_type3A_59, %cond3A_60 : i32
          scf.if %cond3A_61 {
            %add3A_72 = arith.constant 2 : i32
            %add3A_73 = arith.addi %mul3A_42, %add3A_72 : i32
            %dma_start3A_74 = arith.constant 0 : i32
            %dma_start3A_75 = tpu.memref_slice %arg8[%add3A_73, %dma_start3A_74] : memref<32x128xi32, #tpu.memory_space<vmem>> -> memref<1x128xi32, #tpu.memory_space<vmem>>
            %dma_start3A_76 = tpu.memref_squeeze %dma_start3A_75 : memref<1x128xi32, #tpu.memory_space<vmem>> -> memref<128xi32, #tpu.memory_space<vmem>>
            %dma_start3A_77 = arith.constant 0 : i32
            %dma_start3A_78 = arith.constant 0 : i32
            %dma_start3A_79 = tpu.memref_slice %arg3[%dma_start3A_77, %dma_start3A_78] : memref<10240x128xbf16, #tpu.memory_space<hbm>> -> memref<10240x128xbf16, #tpu.memory_space<hbm>>
            tpu.enqueue_indirect_dma source(%dma_start3A_79 : memref<10240x128xbf16, #tpu.memory_space<hbm>>) target(%arg10 : memref<128x128xbf16, #tpu.memory_space<vmem>>) offsets(%dma_start3A_76 : memref<128xi32, #tpu.memory_space<vmem>>) semaphore(%arg12 : memref<!tpu.dma_semaphore, #tpu.memory_space<semaphore_mem>>)
          } else {
          }
          %add3A_62 = arith.constant 1 : i32
          %add3A_63 = arith.addi %mul3A_42, %add3A_62 : i32
          %dma_wait3A_64 = arith.constant 0 : i32
          %dma_wait3A_65 = tpu.memref_slice %arg8[%add3A_63, %dma_wait3A_64] : memref<32x128xi32, #tpu.memory_space<vmem>> -> memref<1x128xi32, #tpu.memory_space<vmem>>
          %dma_wait3A_66 = tpu.memref_squeeze %dma_wait3A_65 : memref<1x128xi32, #tpu.memory_space<vmem>> -> memref<128xi32, #tpu.memory_space<vmem>>
          %dma_wait3A_67 = arith.constant 0 : i32
          %dma_wait3A_68 = arith.constant 0 : i32
          %dma_wait3A_69 = tpu.memref_slice %arg3[%dma_wait3A_67, %dma_wait3A_68] : memref<10240x128xbf16, #tpu.memory_space<hbm>> -> memref<10240x128xbf16, #tpu.memory_space<hbm>>
          tpu.wait_indirect_dma semaphore(%arg13 : memref<!tpu.dma_semaphore, #tpu.memory_space<semaphore_mem>>) src(%dma_wait3A_69 : memref<10240x128xbf16, #tpu.memory_space<hbm>>) dst(%arg11 : memref<128x128xbf16, #tpu.memory_space<vmem>>)
          %add3A_70 = arith.constant 1 : i32
          %add3A_71 = arith.addi %mul3A_42, %add3A_70 : i32
          "tpu.region"() ({
            %run_scoped3A = tpu.sem_alloc : memref<!tpu.dma_semaphore, #tpu.memory_space<semaphore_mem>>
            %dma_start3A_72 = arith.constant 0 : i32
            %dma_start3A_73 = tpu.memref_slice %arg9[%add3A_71, %dma_start3A_72] : memref<32x128xi32, #tpu.memory_space<vmem>> -> memref<1x128xi32, #tpu.memory_space<vmem>>
            %dma_start3A_74 = tpu.memref_squeeze %dma_start3A_73 : memref<1x128xi32, #tpu.memory_space<vmem>> -> memref<128xi32, #tpu.memory_space<vmem>>
            %dma_start3A_75 = arith.constant 0 : i32
            %dma_start3A_76 = arith.constant 0 : i32
            %dma_start3A_77 = tpu.memref_slice %arg14[%dma_start3A_75, %dma_start3A_76] : memref<10240x128xbf16, #tpu.memory_space<vmem_shared>> -> memref<10240x128xbf16, #tpu.memory_space<vmem_shared>>
            tpu.enqueue_indirect_dma source(%arg11 : memref<128x128xbf16, #tpu.memory_space<vmem>>) target(%dma_start3A_77 : memref<10240x128xbf16, #tpu.memory_space<vmem_shared>>) offsets(%dma_start3A_74 : memref<128xi32, #tpu.memory_space<vmem>>) semaphore(%run_scoped3A : memref<!tpu.dma_semaphore, #tpu.memory_space<semaphore_mem>>) {add = true}
            %dma_wait3A_78 = arith.constant 0 : i32
            %dma_wait3A_79 = tpu.memref_slice %arg9[%add3A_71, %dma_wait3A_78] : memref<32x128xi32, #tpu.memory_space<vmem>> -> memref<1x128xi32, #tpu.memory_space<vmem>>
            %dma_wait3A_80 = tpu.memref_squeeze %dma_wait3A_79 : memref<1x128xi32, #tpu.memory_space<vmem>> -> memref<128xi32, #tpu.memory_space<vmem>>
            %dma_wait3A_81 = arith.constant 0 : i32
            %dma_wait3A_82 = arith.constant 0 : i32
            %dma_wait3A_83 = tpu.memref_slice %arg14[%dma_wait3A_81, %dma_wait3A_82] : memref<10240x128xbf16, #tpu.memory_space<vmem_shared>> -> memref<10240x128xbf16, #tpu.memory_space<vmem_shared>>
            tpu.wait_indirect_dma semaphore(%run_scoped3A : memref<!tpu.dma_semaphore, #tpu.memory_space<semaphore_mem>>) src(%arg11 : memref<128x128xbf16, #tpu.memory_space<vmem>>) dst(%dma_wait3A_83 : memref<10240x128xbf16, #tpu.memory_space<vmem_shared>>)
            tpu.yield
          }) : () -> ()
        }
        %scan3A_39 = arith.constant 16 : i32
      }
      %scan3A_21 = arith.constant 5 : i32
    } else {
    }
    %barrier3A_10 = arith.constant 0 : index
    tpu.barrier barrier_id(%barrier3A_10)
    %mul3A_11 = arith.constant 640 : i32
    %mul3A_12 = arith.muli %arg1, %mul3A_11 : i32
    %mul3A_13 = arith.constant 10240 : i32
    %mul3A_14 = arith.muli %arg0, %mul3A_13 : i32
    %mul3A_15 = arith.constant 640 : i32
    %mul3A_16 = arith.muli %arg1, %mul3A_15 : i32
    %add3A = arith.addi %mul3A_14, %mul3A_16 : i32
    "tpu.region"() ({
      %run_scoped3A = tpu.sem_alloc : memref<!tpu.dma_semaphore, #tpu.memory_space<semaphore_mem>>
      %dma_start3A = arith.constant 0 : i32
      %dma_start3A_17 = tpu.memref_slice %arg7[%add3A, %dma_start3A] : memref<20480x128xbf16, #tpu.memory_space<hbm>> -> memref<640x128xbf16, #tpu.memory_space<hbm>>
      %dma_start3A_18 = arith.constant 0 : i32
      %dma_start3A_19 = tpu.memref_slice %arg14[%mul3A_12, %dma_start3A_18] : memref<10240x128xbf16, #tpu.memory_space<vmem_shared>> -> memref<640x128xbf16, #tpu.memory_space<vmem_shared>>
      tpu.enqueue_dma source(%dma_start3A_19 : memref<640x128xbf16, #tpu.memory_space<vmem_shared>>) target(%dma_start3A_17 : memref<640x128xbf16, #tpu.memory_space<hbm>>) target_semaphore(%run_scoped3A : memref<!tpu.dma_semaphore, #tpu.memory_space<semaphore_mem>>)
      %dma_wait3A = arith.constant 0 : i32
      %dma_wait3A_20 = tpu.memref_slice %arg7[%add3A, %dma_wait3A] : memref<20480x128xbf16, #tpu.memory_space<hbm>> -> memref<640x128xbf16, #tpu.memory_space<hbm>>
      %dma_wait3A_21 = arith.constant 0 : i32
      %dma_wait3A_22 = tpu.memref_slice %arg14[%mul3A_12, %dma_wait3A_21] : memref<10240x128xbf16, #tpu.memory_space<vmem_shared>> -> memref<640x128xbf16, #tpu.memory_space<vmem_shared>>
      tpu.wait_dma2 semaphore(%run_scoped3A : memref<!tpu.dma_semaphore, #tpu.memory_space<semaphore_mem>>) src(%dma_wait3A_22 : memref<640x128xbf16, #tpu.memory_space<vmem_shared>>) dst(%dma_wait3A_20 : memref<640x128xbf16, #tpu.memory_space<hbm>>)
      tpu.yield
    }) : () -> ()
    return
  }
}

module attributes {stable_mosaic.version = 14 : i64} {
  func.func @_tc1_body(%arg0: i32, %arg1: memref<32x512xf32, #tpu.memory_space<vmem>>, %arg2: memref<2x512x128xf32, #tpu.memory_space<vmem>>, %arg3: memref<2x128x128xf32, #tpu.memory_space<vmem>>, %arg4: memref<512x128xf32, #tpu.memory_space<vmem>>, %arg5: memref<512x128xf32, #tpu.memory_space<vmem>>, %arg6: memref<512x1xf32, #tpu.memory_space<vmem>>) attributes {dimension_semantics = [#tpu.dimension_semantics<arbitrary>], iteration_bounds = array<i64: 20>, scalar_prefetch = 0 : i64, scratch_operands = 0 : i64, tpu.core_type = #tpu.core_type<tc>, window_params = [{transform_indices = @transform_0, window_bounds = array<i64: 32, 512>}, {transform_indices = @transform_1, window_bounds = array<i64: 2, 512, 128>}, {pipeline_mode = #tpu.pipeline_mode<synchronous>, transform_indices = @transform_2, window_bounds = array<i64: 2, 128, 128>}, {transform_indices = @transform_3, window_bounds = array<i64: 512, 128>}, {transform_indices = @transform_4, window_bounds = array<i64: 512, 128>}, {transform_indices = @transform_5, window_bounds = array<i64: 512, 1>}]} {
    %get3A = arith.constant 0 : index
    %get3A_0 = arith.constant 0 : index
    %get3A_1 = vector.load %arg1[%get3A, %get3A_0] : memref<32x512xf32, #tpu.memory_space<vmem>>, vector<32x512xf32>
    %reduce_sum3A = arith.constant dense<0.000000e+00> : vector<512xf32>
    %reduce_sum3A_2 = vector.multi_reduction <add>, %get3A_1, %reduce_sum3A [0] : vector<32x512xf32> to vector<512xf32>
    %add3A = arith.constant 1.000000e+00 : f32
    %add3A_3 = vector.broadcast %add3A : f32 to vector<512xf32>
    %add3A_4 = arith.addf %reduce_sum3A_2, %add3A_3 : vector<512xf32>
    %rsqrt3A = math.rsqrt %add3A_4 : vector<512xf32>
    %broadcast_in_dim3A = vector.shape_cast %rsqrt3A : vector<512xf32> to vector<512x1xf32>
    %get3A_5 = arith.constant 0 : index
    %get3A_6 = arith.constant 0 : index
    %get3A_7 = arith.constant 0 : index
    %get3A_8 = vector.load %arg2[%get3A_5, %get3A_6, %get3A_7] : memref<2x512x128xf32, #tpu.memory_space<vmem>>, vector<1x512x128xf32>
    %get3A_9 = vector.shape_cast %get3A_8 : vector<1x512x128xf32> to vector<512x128xf32>
    %get3A_10 = arith.constant 0 : index
    %get3A_11 = arith.constant 0 : index
    %get3A_12 = arith.constant 0 : index
    %get3A_13 = vector.load %arg3[%get3A_10, %get3A_11, %get3A_12] : memref<2x128x128xf32, #tpu.memory_space<vmem>>, vector<1x128x128xf32>
    %get3A_14 = vector.shape_cast %get3A_13 : vector<1x128x128xf32> to vector<128x128xf32>
    %dot_general3A = arith.constant dense<0.000000e+00> : vector<512x128xf32>
    %dot_general3A_15 = tpu.matmul %get3A_9, %get3A_14, %dot_general3A {dimension_numbers = #tpu.dot_dimension_numbers<[1], [0], [0], [1], [0, 0, 1, 1], [], []>, transpose_lhs_hint = false} : vector<512x128xf32>, vector<128x128xf32>, vector<512x128xf32> -> vector<512x128xf32>
    %get3A_16 = arith.constant 1 : index
    %get3A_17 = arith.constant 0 : index
    %get3A_18 = arith.constant 0 : index
    %get3A_19 = vector.load %arg2[%get3A_16, %get3A_17, %get3A_18] : memref<2x512x128xf32, #tpu.memory_space<vmem>>, vector<1x512x128xf32>
    %get3A_20 = vector.shape_cast %get3A_19 : vector<1x512x128xf32> to vector<512x128xf32>
    %get3A_21 = arith.constant 1 : index
    %get3A_22 = arith.constant 0 : index
    %get3A_23 = arith.constant 0 : index
    %get3A_24 = vector.load %arg3[%get3A_21, %get3A_22, %get3A_23] : memref<2x128x128xf32, #tpu.memory_space<vmem>>, vector<1x128x128xf32>
    %get3A_25 = vector.shape_cast %get3A_24 : vector<1x128x128xf32> to vector<128x128xf32>
    %dot_general3A_26 = arith.constant dense<0.000000e+00> : vector<512x128xf32>
    %dot_general3A_27 = tpu.matmul %get3A_20, %get3A_25, %dot_general3A_26 {dimension_numbers = #tpu.dot_dimension_numbers<[1], [0], [0], [1], [0, 0, 1, 1], [], []>, transpose_lhs_hint = false} : vector<512x128xf32>, vector<128x128xf32>, vector<512x128xf32> -> vector<512x128xf32>
    %mul3A = vector.broadcast %broadcast_in_dim3A : vector<512x1xf32> to vector<512x128xf32>
    %mul3A_28 = arith.mulf %dot_general3A_15, %mul3A : vector<512x128xf32>
    %swap3A = arith.constant 0 : index
    %swap3A_29 = arith.constant 0 : index
    %swap3A_30 = vector.load %arg4[%swap3A, %swap3A_29] : memref<512x128xf32, #tpu.memory_space<vmem>>, vector<512x128xf32>
    tpu.vector_store %arg4[%swap3A, %swap3A_29], %mul3A_28 {strides = array<i32>} : memref<512x128xf32, #tpu.memory_space<vmem>>, vector<512x128xf32>,
    %mul3A_31 = vector.broadcast %broadcast_in_dim3A : vector<512x1xf32> to vector<512x128xf32>
    %mul3A_32 = arith.mulf %dot_general3A_27, %mul3A_31 : vector<512x128xf32>
    %swap3A_33 = arith.constant 0 : index
    %swap3A_34 = arith.constant 0 : index
    %swap3A_35 = vector.load %arg5[%swap3A_33, %swap3A_34] : memref<512x128xf32, #tpu.memory_space<vmem>>, vector<512x128xf32>
    tpu.vector_store %arg5[%swap3A_33, %swap3A_34], %mul3A_32 {strides = array<i32>} : memref<512x128xf32, #tpu.memory_space<vmem>>, vector<512x128xf32>,
    %swap3A_36 = arith.constant 0 : index
    %swap3A_37 = arith.constant 0 : index
    %swap3A_38 = vector.load %arg6[%swap3A_36, %swap3A_37] : memref<512x1xf32, #tpu.memory_space<vmem>>, vector<512x1xf32>
    tpu.vector_store %arg6[%swap3A_36, %swap3A_37], %broadcast_in_dim3A {strides = array<i32>} : memref<512x1xf32, #tpu.memory_space<vmem>>, vector<512x1xf32>,
    return
  }
  func.func @transform_0(%arg0: i32) -> (i32, i32) {
    %c0_i32 = arith.constant 0 : i32
    %c0_i32_0 = arith.constant 0 : i32
    return %c0_i32, %arg0 : i32, i32
  }
  func.func @transform_1(%arg0: i32) -> (i32, i32, i32) {
    %c0_i32 = arith.constant 0 : i32
    %c0_i32_0 = arith.constant 0 : i32
    %c0_i32_1 = arith.constant 0 : i32
    return %c0_i32, %arg0, %c0_i32_0 : i32, i32, i32
  }
  func.func @transform_2(%arg0: i32) -> (i32, i32, i32) {
    %c0_i32 = arith.constant 0 : i32
    %c0_i32_0 = arith.constant 0 : i32
    %c0_i32_1 = arith.constant 0 : i32
    %c0_i32_2 = arith.constant 0 : i32
    return %c0_i32, %c0_i32_0, %c0_i32_1 : i32, i32, i32
  }
  func.func @transform_3(%arg0: i32) -> (i32, i32) {
    %c0_i32 = arith.constant 0 : i32
    %c0_i32_0 = arith.constant 0 : i32
    return %arg0, %c0_i32 : i32, i32
  }
  func.func @transform_4(%arg0: i32) -> (i32, i32) {
    %c0_i32 = arith.constant 0 : i32
    %c0_i32_0 = arith.constant 0 : i32
    return %arg0, %c0_i32 : i32, i32
  }
  func.func @transform_5(%arg0: i32) -> (i32, i32) {
    %c0_i32 = arith.constant 0 : i32
    %c0_i32_0 = arith.constant 0 : i32
    return %arg0, %c0_i32 : i32, i32
  }
}

module attributes {stable_mosaic.version = 14 : i64} {
  func.func @_tc2_body(%arg0: i32, %arg1: memref<512x128xbf16, #tpu.memory_space<vmem>>, %arg2: memref<512x128xbf16, #tpu.memory_space<vmem>>, %arg3: memref<512x128xf32, #tpu.memory_space<vmem>>, %arg4: memref<512x128xf32, #tpu.memory_space<vmem>>, %arg5: memref<512x1xf32, #tpu.memory_space<vmem>>, %arg6: memref<2x128xf32, #tpu.memory_space<vmem>>, %arg7: memref<256x64xf32, #tpu.memory_space<vmem>>, %arg8: memref<512x64xf32, #tpu.memory_space<vmem>>) attributes {dimension_semantics = [#tpu.dimension_semantics<arbitrary>], iteration_bounds = array<i64: 20>, scalar_prefetch = 0 : i64, scratch_operands = 0 : i64, tpu.core_type = #tpu.core_type<tc>, window_params = [{transform_indices = @transform_0, window_bounds = array<i64: 512, 128>}, {transform_indices = @transform_1, window_bounds = array<i64: 512, 128>}, {transform_indices = @transform_2, window_bounds = array<i64: 512, 128>}, {transform_indices = @transform_3, window_bounds = array<i64: 512, 128>}, {transform_indices = @transform_4, window_bounds = array<i64: 512, 1>}, {pipeline_mode = #tpu.pipeline_mode<synchronous>, transform_indices = @transform_5, window_bounds = array<i64: 2, 128>}, {pipeline_mode = #tpu.pipeline_mode<synchronous>, transform_indices = @transform_6, window_bounds = array<i64: 256, 64>}, {transform_indices = @transform_7, window_bounds = array<i64: 512, 64>}]} {
    %get3A = arith.constant 0 : index
    %get3A_0 = arith.constant 0 : index
    %get3A_1 = vector.load %arg5[%get3A, %get3A_0] : memref<512x1xf32, #tpu.memory_space<vmem>>, vector<512x1xf32>
    %get3A_2 = arith.constant 0 : index
    %get3A_3 = arith.constant 0 : index
    %get3A_4 = vector.load %arg1[%get3A_2, %get3A_3] : memref<512x128xbf16, #tpu.memory_space<vmem>>, vector<512x128xbf16>
    %convert_element_type3A = arith.extf %get3A_4 : vector<512x128xbf16> to vector<512x128xf32>
    %get3A_5 = arith.constant 0 : index
    %get3A_6 = arith.constant 0 : index
    %get3A_7 = vector.load %arg2[%get3A_5, %get3A_6] : memref<512x128xbf16, #tpu.memory_space<vmem>>, vector<512x128xbf16>
    %convert_element_type3A_8 = arith.extf %get3A_7 : vector<512x128xbf16> to vector<512x128xf32>
    %get3A_9 = arith.constant 0 : index
    %get3A_10 = arith.constant 0 : index
    %get3A_11 = vector.load %arg3[%get3A_9, %get3A_10] : memref<512x128xf32, #tpu.memory_space<vmem>>, vector<512x128xf32>
    %add3A = arith.addf %convert_element_type3A, %get3A_11 : vector<512x128xf32>
    %mul3A = vector.broadcast %get3A_1 : vector<512x1xf32> to vector<512x128xf32>
    %mul3A_12 = arith.mulf %add3A, %mul3A : vector<512x128xf32>
    %get3A_13 = arith.constant 0 : index
    %get3A_14 = arith.constant 0 : index
    %get3A_15 = vector.load %arg6[%get3A_13, %get3A_14] : memref<2x128xf32, #tpu.memory_space<vmem>>, vector<1x128xf32>
    %get3A_16 = vector.shape_cast %get3A_15 : vector<1x128xf32> to vector<128xf32>
    %broadcast_in_dim3A = vector.shape_cast %get3A_16 : vector<128xf32> to vector<1x128xf32>
    %add3A_17 = vector.broadcast %broadcast_in_dim3A : vector<1x128xf32> to vector<512x128xf32>
    %add3A_18 = arith.addf %mul3A_12, %add3A_17 : vector<512x128xf32>
    %max3A = arith.constant 0.000000e+00 : f32
    %max3A_19 = vector.broadcast %max3A : f32 to vector<512x128xf32>
    %max3A_20 = arith.maximumf %add3A_18, %max3A_19 : vector<512x128xf32>
    %get3A_21 = arith.constant 0 : index
    %get3A_22 = arith.constant 0 : index
    %get3A_23 = vector.load %arg4[%get3A_21, %get3A_22] : memref<512x128xf32, #tpu.memory_space<vmem>>, vector<512x128xf32>
    %add3A_24 = arith.addf %convert_element_type3A_8, %get3A_23 : vector<512x128xf32>
    %mul3A_25 = vector.broadcast %get3A_1 : vector<512x1xf32> to vector<512x128xf32>
    %mul3A_26 = arith.mulf %add3A_24, %mul3A_25 : vector<512x128xf32>
    %get3A_27 = arith.constant 1 : index
    %get3A_28 = arith.constant 0 : index
    %get3A_29 = vector.load %arg6[%get3A_27, %get3A_28] : memref<2x128xf32, #tpu.memory_space<vmem>>, vector<1x128xf32>
    %get3A_30 = vector.shape_cast %get3A_29 : vector<1x128xf32> to vector<128xf32>
    %broadcast_in_dim3A_31 = vector.shape_cast %get3A_30 : vector<128xf32> to vector<1x128xf32>
    %add3A_32 = vector.broadcast %broadcast_in_dim3A_31 : vector<1x128xf32> to vector<512x128xf32>
    %add3A_33 = arith.addf %mul3A_26, %add3A_32 : vector<512x128xf32>
    %max3A_34 = arith.constant 0.000000e+00 : f32
    %max3A_35 = vector.broadcast %max3A_34 : f32 to vector<512x128xf32>
    %max3A_36 = arith.maximumf %add3A_33, %max3A_35 : vector<512x128xf32>
    %get3A_37 = arith.constant 0 : index
    %get3A_38 = arith.constant 0 : index
    %get3A_39 = vector.load %arg7[%get3A_37, %get3A_38] : memref<256x64xf32, #tpu.memory_space<vmem>>, vector<256x64xf32>
    %slice3A = vector.extract_strided_slice %get3A_39 {offsets = [0, 0], sizes = [128, 64], strides = [1, 1]} : vector<256x64xf32> to vector<128x64xf32>
    %dot_general3A = arith.constant dense<0.000000e+00> : vector<512x64xf32>
    %dot_general3A_40 = tpu.matmul %max3A_20, %slice3A, %dot_general3A {dimension_numbers = #tpu.dot_dimension_numbers<[1], [0], [0], [1], [0, 0, 1, 1], [], []>, transpose_lhs_hint = false} : vector<512x128xf32>, vector<128x64xf32>, vector<512x64xf32> -> vector<512x64xf32>
    %slice3A_41 = vector.extract_strided_slice %get3A_39 {offsets = [128, 0], sizes = [128, 64], strides = [1, 1]} : vector<256x64xf32> to vector<128x64xf32>
    %dot_general3A_42 = arith.constant dense<0.000000e+00> : vector<512x64xf32>
    %dot_general3A_43 = tpu.matmul %max3A_36, %slice3A_41, %dot_general3A_42 {dimension_numbers = #tpu.dot_dimension_numbers<[1], [0], [0], [1], [0, 0, 1, 1], [], []>, transpose_lhs_hint = false} : vector<512x128xf32>, vector<128x64xf32>, vector<512x64xf32> -> vector<512x64xf32>
    %add3A_44 = arith.addf %dot_general3A_40, %dot_general3A_43 : vector<512x64xf32>
    %mul3A_45 = vector.broadcast %get3A_1 : vector<512x1xf32> to vector<512x64xf32>
    %mul3A_46 = arith.mulf %add3A_44, %mul3A_45 : vector<512x64xf32>
    %swap3A = arith.constant 0 : index
    %swap3A_47 = arith.constant 0 : index
    %swap3A_48 = vector.load %arg8[%swap3A, %swap3A_47] : memref<512x64xf32, #tpu.memory_space<vmem>>, vector<512x64xf32>
    tpu.vector_store %arg8[%swap3A, %swap3A_47], %mul3A_46 {strides = array<i32>} : memref<512x64xf32, #tpu.memory_space<vmem>>, vector<512x64xf32>,
    return
  }
  func.func @transform_0(%arg0: i32) -> (i32, i32) {
    %c0_i32 = arith.constant 0 : i32
    %c0_i32_0 = arith.constant 0 : i32
    return %arg0, %c0_i32 : i32, i32
  }
  func.func @transform_1(%arg0: i32) -> (i32, i32) {
    %add3A = arith.constant 20 : i32
    %add3A_0 = arith.addi %arg0, %add3A : i32
    %c0_i32 = arith.constant 0 : i32
    %c0_i32_1 = arith.constant 0 : i32
    return %add3A_0, %c0_i32 : i32, i32
  }
  func.func @transform_2(%arg0: i32) -> (i32, i32) {
    %c0_i32 = arith.constant 0 : i32
    %c0_i32_0 = arith.constant 0 : i32
    return %arg0, %c0_i32 : i32, i32
  }
  func.func @transform_3(%arg0: i32) -> (i32, i32) {
    %c0_i32 = arith.constant 0 : i32
    %c0_i32_0 = arith.constant 0 : i32
    return %arg0, %c0_i32 : i32, i32
  }
  func.func @transform_4(%arg0: i32) -> (i32, i32) {
    %c0_i32 = arith.constant 0 : i32
    %c0_i32_0 = arith.constant 0 : i32
    return %arg0, %c0_i32 : i32, i32
  }
  func.func @transform_5(%arg0: i32) -> (i32, i32) {
    %c0_i32 = arith.constant 0 : i32
    %c0_i32_0 = arith.constant 0 : i32
    %c0_i32_1 = arith.constant 0 : i32
    return %c0_i32, %c0_i32_0 : i32, i32
  }
  func.func @transform_6(%arg0: i32) -> (i32, i32) {
    %c0_i32 = arith.constant 0 : i32
    %c0_i32_0 = arith.constant 0 : i32
    %c0_i32_1 = arith.constant 0 : i32
    return %c0_i32, %c0_i32_0 : i32, i32
  }
  func.func @transform_7(%arg0: i32) -> (i32, i32) {
    %c0_i32 = arith.constant 0 : i32
    %c0_i32_0 = arith.constant 0 : i32
    return %arg0, %c0_i32 : i32, i32
  }
}

module attributes {stable_mosaic.version = 14 : i64} {
  func.func @_tc3_body(%arg0: i32, %arg1: memref<512x64xbf16, #tpu.memory_space<vmem>>, %arg2: memref<512x64xbf16, #tpu.memory_space<vmem>>, %arg3: memref<512x64xf32, #tpu.memory_space<vmem>>, %arg4: memref<512x1xf32, #tpu.memory_space<vmem>>, %arg5: memref<1x40xf32, #tpu.memory_space<vmem>>, %arg6: memref<512x40xf32, #tpu.memory_space<vmem>>) attributes {dimension_semantics = [#tpu.dimension_semantics<arbitrary>], iteration_bounds = array<i64: 20>, scalar_prefetch = 0 : i64, scratch_operands = 0 : i64, tpu.core_type = #tpu.core_type<tc>, window_params = [{transform_indices = @transform_0, window_bounds = array<i64: 512, 64>}, {transform_indices = @transform_1, window_bounds = array<i64: 512, 64>}, {transform_indices = @transform_2, window_bounds = array<i64: 512, 64>}, {transform_indices = @transform_3, window_bounds = array<i64: 512, 1>}, {pipeline_mode = #tpu.pipeline_mode<synchronous>, transform_indices = @transform_4, window_bounds = array<i64: 1, 40>}, {transform_indices = @transform_5, window_bounds = array<i64: 512, 40>}]} {
    %get3A = arith.constant 0 : index
    %get3A_0 = arith.constant 0 : index
    %get3A_1 = vector.load %arg1[%get3A, %get3A_0] : memref<512x64xbf16, #tpu.memory_space<vmem>>, vector<512x64xbf16>
    %convert_element_type3A = arith.extf %get3A_1 : vector<512x64xbf16> to vector<512x64xf32>
    %get3A_2 = arith.constant 0 : index
    %get3A_3 = arith.constant 0 : index
    %get3A_4 = vector.load %arg2[%get3A_2, %get3A_3] : memref<512x64xbf16, #tpu.memory_space<vmem>>, vector<512x64xbf16>
    %convert_element_type3A_5 = arith.extf %get3A_4 : vector<512x64xbf16> to vector<512x64xf32>
    %add3A = arith.addf %convert_element_type3A, %convert_element_type3A_5 : vector<512x64xf32>
    %get3A_6 = arith.constant 0 : index
    %get3A_7 = arith.constant 0 : index
    %get3A_8 = vector.load %arg3[%get3A_6, %get3A_7] : memref<512x64xf32, #tpu.memory_space<vmem>>, vector<512x64xf32>
    %add3A_9 = arith.addf %add3A, %get3A_8 : vector<512x64xf32>
    %get3A_10 = arith.constant 0 : index
    %get3A_11 = arith.constant 0 : index
    %get3A_12 = vector.load %arg4[%get3A_10, %get3A_11] : memref<512x1xf32, #tpu.memory_space<vmem>>, vector<512x1xf32>
    %mul3A = vector.broadcast %get3A_12 : vector<512x1xf32> to vector<512x64xf32>
    %mul3A_13 = arith.mulf %add3A_9, %mul3A : vector<512x64xf32>
    %slice3A = vector.extract_strided_slice %mul3A_13 {offsets = [0, 0], sizes = [512, 40], strides = [1, 1]} : vector<512x64xf32> to vector<512x40xf32>
    %get3A_14 = arith.constant 0 : index
    %get3A_15 = arith.constant 0 : index
    %get3A_16 = vector.load %arg5[%get3A_14, %get3A_15] : memref<1x40xf32, #tpu.memory_space<vmem>>, vector<1x40xf32>
    %add3A_17 = vector.broadcast %get3A_16 : vector<1x40xf32> to vector<512x40xf32>
    %add3A_18 = arith.addf %slice3A, %add3A_17 : vector<512x40xf32>
    %swap3A = arith.constant 0 : index
    %swap3A_19 = arith.constant 0 : index
    %swap3A_20 = vector.load %arg6[%swap3A, %swap3A_19] : memref<512x40xf32, #tpu.memory_space<vmem>>, vector<512x40xf32>
    tpu.vector_store %arg6[%swap3A, %swap3A_19], %add3A_18 {strides = array<i32>} : memref<512x40xf32, #tpu.memory_space<vmem>>, vector<512x40xf32>,
    return
  }
  func.func @transform_0(%arg0: i32) -> (i32, i32) {
    %c0_i32 = arith.constant 0 : i32
    %c0_i32_0 = arith.constant 0 : i32
    return %arg0, %c0_i32 : i32, i32
  }
  func.func @transform_1(%arg0: i32) -> (i32, i32) {
    %add3A = arith.constant 20 : i32
    %add3A_0 = arith.addi %arg0, %add3A : i32
    %c0_i32 = arith.constant 0 : i32
    %c0_i32_1 = arith.constant 0 : i32
    return %add3A_0, %c0_i32 : i32, i32
  }
  func.func @transform_2(%arg0: i32) -> (i32, i32) {
    %c0_i32 = arith.constant 0 : i32
    %c0_i32_0 = arith.constant 0 : i32
    return %arg0, %c0_i32 : i32, i32
  }
  func.func @transform_3(%arg0: i32) -> (i32, i32) {
    %c0_i32 = arith.constant 0 : i32
    %c0_i32_0 = arith.constant 0 : i32
    return %arg0, %c0_i32 : i32, i32
  }
  func.func @transform_4(%arg0: i32) -> (i32, i32) {
    %c0_i32 = arith.constant 0 : i32
    %c0_i32_0 = arith.constant 0 : i32
    %c0_i32_1 = arith.constant 0 : i32
    return %c0_i32, %c0_i32_0 : i32, i32
  }
  func.func @transform_5(%arg0: i32) -> (i32, i32) {
    %c0_i32 = arith.constant 0 : i32
    %c0_i32_0 = arith.constant 0 : i32
    return %arg0, %c0_i32 : i32, i32
  }
}

</mosaic_0001>

<sc_bundles>
// kernel: kernel.11.cloned.1.call-start
scs
__scs_entry_jumppad:
0x0: {  	(pc) =	sbr.rel $0x88, $3  }
0x1: {  	(tag) =	ssettag $0x0;
	lr =	simm.s32 $0x1  }
0x2: {  	[smem:$0x3F9B] =	sst lr;
	_ =	strace $0xD0000000  }
0x3: {  	_ = 	snop  }
0x4: {  	_ = 	snop  }
0x5: {  	_ = 	snop  }
0x6: {  	_ = 	snop  }
0x7: {  	_ = 	snop  }
__scs_overlays_trampoline_lowered:
0x8: {  	[smem:$0x3FAA] =	sst s0  }
0x9: {  	[smem:$0x3FAB] =	sst s1  }
0xa: {  	[smem:$0x3FAC] =	sst s2  }
0xb: {  	[smem:$0x3FAD] =	sst s3  }
0xc: {  	[smem:$0x3FAE] =	sst s4  }
0xd: {  	[smem:$0x3FAF] =	sst s5  }
0xe: {  	[smem:$0x3FB0] =	sst s6  }
0xf: {  	[smem:$0x3FB1] =	sst s7  }
0x10: {  	[smem:$0x3FB2] =	sst s8  }
0x11: {  	[smem:$0x3FB3] =	sst s9;
	s0 =	simm.s32 @!p0 $0x0  }
0x12: {  	s1 =	sld [smem:$0x3F99];
	s0 =	simm.s32 @p0 $0x1  }
0x13: {  	[smem:$0x3FB4] =	sst s0;
	s0 =	simm.s32 @!p1 $0x0  }
0x14: {  	s2 =	sld [smem:$0x3F98];
	s0 =	simm.s32 @p1 $0x1  }
0x15: {  	[smem:$0x3FB5] =	sst s0;
	s0 =	simm.s32 @!p2 $0x0  }
0x16: {  	s3 =	sld [smem:$0x3FDB];
	s0 =	simm.s32 @p2 $0x1  }
0x17: {  	s4 =	simm.s32 $0x1BF5;
	[smem:$0x3FB7] =	sst s0  }
0x18: {  	s0 =	sld [smem:$0x3F9A];
	_ =	swait.ge [sflag:s4], $0x0  }
0x19: {  	s7 =	sld [smem:$0x3F9B]  }
0x1a: {  	s8 =	sadd.s32 $0xFFFFE003, lr  }
0x1b: {  	s9 =	sadd.s32 $0xFFFFFEF7, lr;
	s5 =	simm.s32 $0xFFFFFFFF;
	p2 =	slt.u32 s8, $0xFFFFF086  }
0x1c: {  	p1 =	slt.u32 s9, $0xF7A;
	s5 =	simm.s32 @!p2 $0x0  }
0x1d: {  	s5 =	simm.s32 @p1 $0x1;
	p0 =	seq.s32 s7, s2  }
0x1e: {  	s7 =	smul.u32 @!p0 $0xF7A, s2;
	p2 =	seq.s32 @!p0 s5, $0x0  }
0x1f: {  	s9 =	smul.u32 $0xF7A, s1;
	s8 =	simm.s32 @!p0 $0x1BF5;
	p2 =	por !p2, p0  }
0x20: {  	[sflag:s8] =	ssyncset.s32 @!p0 $0xFFFFF086;
	s6 =	sadd.s32 @!p0 s3, s7;
	s7 =	simm.s32 @!p0 $0x108  }
0x21: {  	s3 =	sadd.s32 s3, s9;
	s6 =	sadd.s32 @!p0 $0x88, s6;
	s7 =	simm.s32 @p2 $0x1082  }
0x22: {  	[simem:s7], [sflag:s8] =	dma.local @!p0 [hbm:s6], $0xF7A  }
0x23: {  	s9 =	sor.u32 $0xD0000000, s2;
	s6 =	simm.s32 $0x108;
	_ =	swait.ge @!p0 [sflag:s8], $0x0  }
0x24: {  	s3 =	sadd.s32 $0x88, s3;
	s6 =	simm.s32 @!p1 $0x1082;
	[sflag:s4] =	ssyncset.s32 $0xFFFFF086  }
0x25: {  	[simem:s6], [sflag:s4] =	dma.local [hbm:s3], $0xF7A  }
0x26: {  	[smem:$0x3F9B] =	sst s1;
	(tag) =	ssettag s2;
	_ =	strace s9  }
0x27: {  	s1 =	sld [smem:$0x3FAB]  }
0x28: {  	s2 =	sld [smem:$0x3FAC]  }
0x29: {  	s4 =	sld [smem:$0x3FAE]  }
0x2a: {  	p0 =	seq.s32 s5, $0x0;
	s5 =	sld [smem:$0x3FAF]  }
0x2b: {  	s6 =	sld [smem:$0x3FB0]  }
0x2c: {  	s7 =	sld [smem:$0x3FB1]  }
0x2d: {  	s3 =	simm.s32 $0x108;
	s8 =	sld [smem:$0x3FB2]  }
0x2e: {  	s3 =	simm.s32 @!p0 $0x1082;
	s9 =	sld [smem:$0x3FB3]  }
0x2f: {  	lr =	sadd.s32 s0, s3;
	s0 =	sld [smem:$0x3FAA]  }
0x30: {  	s3 =	sld [smem:$0x3FAD]  }
0x31: {  	[smem:$0x3FB6] =	sst s10  }
0x32: {  	s10 =	sld [smem:$0x3FB4];
	_ =	sdelay $0x3  }
0x33: {  	p0 =	seq.s32 s10, $0x1;
	s10 =	sld [smem:$0x3FB6];
	_ =	sdelay $0x3  }
0x34: {  	[smem:$0x3FB6] =	sst s10  }
0x35: {  	s10 =	sld [smem:$0x3FB5];
	_ =	sdelay $0x3  }
0x36: {  	p1 =	seq.s32 s10, $0x1;
	s10 =	sld [smem:$0x3FB6];
	_ =	sdelay $0x3  }
0x37: {  	[smem:$0x3FB6] =	sst s10  }
0x38: {  	s10 =	sld [smem:$0x3FB7]  }
0x39: {  	_ = 	snop;
	(pc) =	sbr.ind lr, $3  }
0x3a: {  	_ = 	snop  }
0x3b: {  	_ = 	snop  }
0x3c: {  	p2 =	seq.s32 s10, $0x1;
	s10 =	sld [smem:$0x3FB6]  }
0x3d: {  	_ =	shalt  }
0x3e: {  	_ =	shalt  }
0x3f: {  	_ =	shalt  }
0x40: {  	_ =	shalt  }
0x41: {  	_ =	shalt  }
0x42: {  	_ =	shalt  }
0x43: {  	_ =	shalt  }
0x44: {  	_ =	shalt  }
0x45: {  	_ =	shalt  }
0x46: {  	_ =	shalt  }
0x47: {  	_ =	shalt  }
0x48: {  	_ =	shalt  }
0x49: {  	_ =	shalt  }
0x4a: {  	_ =	shalt  }
0x4b: {  	_ =	shalt  }
0x4c: {  	_ =	shalt  }
0x4d: {  	_ =	shalt  }
0x4e: {  	_ =	shalt  }
0x4f: {  	_ =	shalt  }
0x50: {  	_ =	shalt  }
0x51: {  	_ =	shalt  }
0x52: {  	_ =	shalt  }
0x53: {  	_ =	shalt  }
0x54: {  	_ =	shalt  }
0x55: {  	_ =	shalt  }
0x56: {  	_ =	shalt  }
0x57: {  	_ =	shalt  }
0x58: {  	_ =	shalt  }
0x59: {  	_ =	shalt  }
0x5a: {  	_ =	shalt  }
0x5b: {  	_ =	shalt  }
0x5c: {  	_ =	shalt  }
0x5d: {  	_ =	shalt  }
0x5e: {  	_ =	shalt  }
0x5f: {  	_ =	shalt  }
0x60: {  	_ =	shalt  }
0x61: {  	_ =	shalt  }
0x62: {  	_ =	shalt  }
0x63: {  	_ =	shalt  }
0x64: {  	_ =	shalt  }
0x65: {  	_ =	shalt  }
0x66: {  	_ =	shalt  }
0x67: {  	_ =	shalt  }
0x68: {  	_ =	shalt  }
0x69: {  	_ =	shalt  }
0x6a: {  	_ =	shalt  }
0x6b: {  	_ =	shalt  }
0x6c: {  	_ =	shalt  }
0x6d: {  	_ =	shalt  }
0x6e: {  	_ =	shalt  }
0x6f: {  	_ =	shalt  }
0x70: {  	_ =	shalt  }
0x71: {  	_ =	shalt  }
0x72: {  	_ =	shalt  }
0x73: {  	_ =	shalt  }
0x74: {  	_ =	shalt  }
0x75: {  	_ =	shalt  }
0x76: {  	_ =	shalt  }
0x77: {  	_ =	shalt  }
0x78: {  	_ =	shalt  }
0x79: {  	_ =	shalt  }
0x7a: {  	_ =	shalt  }
0x7b: {  	_ =	shalt  }
0x7c: {  	_ =	shalt  }
0x7d: {  	_ =	shalt  }
0x7e: {  	_ =	shalt  }
0x7f: {  	_ =	shalt  }
0x80: {  	_ =	shalt  }
0x81: {  	_ =	shalt  }
0x82: {  	_ =	shalt  }
0x83: {  	_ =	shalt  }
0x84: {  	_ =	shalt  }
0x85: {  	_ =	shalt  }
0x86: {  	_ =	shalt  }
0x87: {  	_ =	shalt  }
.Lfunc_end0:
.L_simem_size_0:
called_computation.1_lowered:
.L_overlay_start_0:
0x88: {  	s2 =	sld [smem:$0x3FD9]  }
0x89: {  	s3 =	sld [smem:$0x3FFE];
	_ =	sdelay $0x1  }
0x8a: {  	s1 =	srdreg.scid  }
0x8b: {  	s0 =	sand.u32 $0x1, s1  }
0x8c: {  	s17 =	sshll.u32 s0, $0xA;
	s2 =	sadd.s32 s3, s2  }
0x8d: {  	s2 =	sadd.s32 s2, s17  }
0x8e: {  	[smem:$0x3FC2] =	sst s2  }
0x8f: {  	_ = 	snop  }
0x90: {  	s2 =	sld [smem:$0x3FD0];
	(tm) =	ssettm $0x1  }
0x91: {  	s18 =	sld [smem:$0x3FFB];
	_ =	sdelay $0x3  }
0x92: {  	_ =	strace s18  }
0x93: {  	s3 =	sld [smem:$0x3FFC];
	_ =	sdelay $0x3  }
0x94: {  	_ =	strace s3  }
0x95: {  	s3 =	sld [smem:$0x3FFD];
	_ =	sdelay $0x3  }
0x96: {  	_ =	strace s3  }
0x97: {  	_ =	strace $0x8FFFFFFF  }
0x98: {  	s19 =	sld [smem:$0x3FDB];
	_ =	sdelay $0x1  }
0x99: {  	s4 =	simm.s32 $_scs_section_size  }
0x9a: {  	s5 =	simm.s32 $_size__tile_overlayer_lowered;
	s6 =	simm.s32 $_tile_overlayer_lowered  }
0x9b: {  	s22 =	simm.s32 $0x1BFF;
	s21 =	sshll.u32 s6, $0x1;
	s3 =	sadd.s32 s4, s19  }
0x9c: {  	s7 =	simm.s32 $0x0;
	s20 =	sshll.u32 s5, $0x1;
	s5 =	sadd.s32 s21, s3  }
0x9d: {  	[timem:s7], [sflag:s22] =	dma.local [hbm:s5], s20  }
0x9e: {  	_ =	swait.ge [sflag:s22], s20  }
0x9f: {  	s4 =	ssub.s32 $0x0, s20;
	[sflag:s22] =	ssyncset.done $0x0  }
0xa0: {  	[sflag:s22] =	ssyncadd.s32 s4;
	_ =	sdelay $0x1  }
0xa1: {  	s23 =	simm.s32 $0x1B8B  }
0xa2: {  	_ =	swait.ge [sflag:s23], $0x1  }
0xa3: {  	[sflag:s23] =	ssyncset.done $0x0  }
0xa4: {  	s25 =	simm.s32 $0x1B8E;
	s24 =	sld [smem:$0x3FFE];
	[sflag:s23] =	ssyncadd.s32 $0xFFFFFFFF  }
0xa5: {  	s26 =	simm.s32 $execute0_lowered;
	[smem:$0x3FD2] =	sst s25  }
0xa6: {  	s5 =	sshll.u32 s26, $0x1;
	_ =	strace $0x80000049;
	[dreg:$0x1] =	wrdreg $0xFFFFFFFF  }
0xa7: {  	s28 =	simm.s32 $_size_execute0_lowered;
	s3 =	sadd.s32 s3, s5;
	[dreg:$0x0] =	wrdreg $0x0  }
0xa8: {  	s5 =	sshll.u32 s28, $0x1;
	[dreg:$0x2] =	wrdreg s3  }
0xa9: {  	[dreg:$0x3] =	wrdreg s5  }
0xaa: {  	[dreg:$0x4] =	wrdreg $0xC0  }
0xab: {  	_ =	task [dreg:s7], $0x5FFFF  }
0xac: {  	[dreg:$0x1] =	wrdreg $0xFFFFFFFF  }
0xad: {  	[dreg:$0x0] =	wrdreg $0x60  }
0xae: {  	[dreg:$0x2] =	wrdreg s24  }
0xaf: {  	[dreg:$0x3] =	wrdreg s2  }
0xb0: {  	[dreg:$0x4] =	wrdreg $0x60000  }
0xb1: {  	[dreg:$0x5] =	wrdreg $0x9  }
0xb2: {  	_ =	task.clear_ibuf [dreg:s7], $0x6FFFF;
	_ =	strace $0x90000049  }
0xb3: {  	s29 =	simm.s32 $0x9;
	_ =	strace $0x8000004B  }
0xb4: {  	_ =	swait.ge [sflag:s29], $0x1  }
0xb5: {  	[sflag:s29] =	ssyncadd.s32 $0xFFFFFFFF  }
0xb6: {  	_ =	strace $0x9000004B  }
0xb7: {  	_ =	sfence  }
0xb8: {  	s30 =	sld [smem:$0x0];
	_ =	sdelay $0x2  }
0xb9: {  	s31 =	sshll.u32 s1, $0xD;
	s1 =	sshrl.u32 s1, $0x2  }
0xba: {  	s3 =	sand.u32 $0x4000, s31;
	s1 =	sadd.s32 s1, s30  }
0xbb: {  	s0 =	sor.u32 s3, s0;
	s1 =	sshll.u32 s1, $0x11  }
0xbc: {  	s0 =	sor.u32 s1, s0  }
0xbd: {  	s0 =	sadd.s32 $0x8F2B, s0  }
0xbe: {  	[sflag:s0] =	ssyncadd.remote.s32 $0x1  }
0xbf: {  	_ =	sfence.sel $0xFFFF  }
0xc0: {  	[dreg:$0x0] =	wrdreg $0xFFFFFFFF;
	(pc) =	sbr.abs _section_cstart, $3  }
0xc1: {  	[dreg:$0x1] =	wrdreg $0xFFFFFFFF  }
0xc2: {  	_ =	task.clear_ibuf [dreg:s7], $0x2FFFF;
	_ =	strace $0x9FFFFFFF  }
0xc3: {  	(tm) =	ssettm $0x7FFFFFFF  }
tec
execute0_lowered:
.L_overlay_start_1:
0x0: {  	(tag) =	ssettag $0x1  }
0x1: {  	s8 =	rddreg [dreg:$0x0]  }
0x2: {  	s2 =	rddreg [dreg:$0x1]  }
0x3: {  	s3 =	rddreg [dreg:$0x2]  }
0x4: {  	s0 =	rddreg [dreg:$0x3];
	s1 =	stileid.u32  }
0x5: {  	s4 =	simm.s32 $0x0;
	s5 =	srdreg.scid;
	s15 =	simm.s32 $0x1000  }
0x6: {  	s16 =	simm.s32 $0x80;
	s17 =	simm.s32 $0x2000;
	s18 =	simm.s32 $0x4000  }
0x7: {  	s19 =	simm.s32 $0x1;
	s20 =	simm.s32 $0x2;
	s21 =	simm.s32 $0xF80  }
0x8: {  	s22 =	simm.s32 $0x1F00;
	s23 =	simm.s32 $0x1F80;
	s9 =	smul.u32 $0x14000, s1  }
0x9: {  	[smem:$0x7FF] =	sst s4;
	s10 =	sand.u32 $0x1, s5;
	s11 =	smul.u32 $0x1400, s1  }
0xa: {  	s5 =	sadd.s32 $0x8EC00, s8;
	s6 =	sadd.s32 $0x7AC00, s8;
	s7 =	sadd.s32 $0x70C00, s8  }
0xb: {  	s31 =	sshll.u32 s1, $0x6;
	_ =	strace $0x8000004A;
	s12 =	smul.u32 $0x14000, s10  }
0xc: {  	s28 =	ssub.s32 $0x2, s10;
	p0 =	seq.s32 s10, $0x1;
	s10 =	smul.u32 $0x5000, s1  }
.Ltmp0:
0xd: {  	s13 =	sshrl.u32 s9, $0x4;
	s29 =	sshrl.u32 s28, $0x1;
	(pc) =	sbr.rel .LBB2_1-.Ltmp0, $4  }
0xe: {  	s30 =	sshrl.u32 s9, $0x1;
	s9 =	sor.u32 $0x1C03, s31;
	s11 =	sadd.s32 s11, s12  }
0xf: {  	s13 =	sadd.s32 s13, s8;
	s12 =	ssub.s32 s28, s29;
	s14 =	sadd.s32 s30, s3  }
0x10: {  	s11 =	sadd.s32 s11, s8;
	s8 =	sadd.s32 $0xCC00, s13;
	s12 =	smax.u32 s12, $0x1  }
0x11: {  	s13 =	sshrl.u32 s14, $0x3;
	s14 =	simm.s32 $0x3;
	s11 =	sadd.s32 $0xA2C00, s11  }
.LBB2_8:
0x12: {  	s4 =	sadd.s32 $0x1, s4  }
0x13: {  	p1 =	sne.s32 s4, s12  }
.Ltmp1:
0x14: {  	[bflag:$0x0] =	sbarrier.arrive $0xFFFF;
	(pc) =	sbr.rel @!p1 .LBB2_9-.Ltmp1, $4  }
0x15: {  	[hbm:s11], [sflag:s9] =	dma.local [spmem:s13], $0x1400  }
0x16: {  	_ =	swait.ge [sflag:s14], $0x1400  }
0x17: {  	[sflag:s14] =	ssyncset.done $0x0  }
0x18: {  	[sflag:s14] =	ssyncadd.s32 $0xFFFFEC00  }
.LBB2_1:
0x19: {  	[spmem:s13], [sflag:s9] =	dma.local [hbm:s8], $0x1400  }
.Ltmp2:
0x1a: {  	_ =	swait.ge [sflag:s14], $0x1400;
	(pc) =	sbr.rel @!p0 .LBB2_2-.Ltmp2, $4  }
0x1b: {  	[sflag:s14] =	ssyncset.done $0x0  }
0x1c: {  	[sflag:s14] =	ssyncadd.s32 $0xFFFFEC00  }
0x1d: {  	[bflag:$0x0] =	sbarrier.arrive $0xFFFF  }
0x1e: {  	s24 =	simm.s32 $0x0;
	s25 =	simm.s32 $0x0  }
.LBB2_5:
0x1f: {  	s24 =	sshll.u32 s25, $0xC  }
0x20: {  	s24 =	sadd.s32 s10, s24  }
0x21: {  	s24 =	sshrl.u32 s24, $0x3  }
0x22: {  	s28 =	simm.s32 $0x0;
	s26 =	sadd.s32 s7, s24  }
0x23: {  	[tilespmem:s28], [sflag:$0x3] =	stream.linear.gather [hbm4b:s26+s28], $0x1000, $0x38;
	[tilespmem:$0x10000] =	vst v63  }
0x24: {  	_ =	swait.ge [sflag:s14], $0x1000  }
0x25: {  	[sflag:s14] =	ssyncset.done $0x0  }
0x26: {  	s24 =	sadd.s32 s2, s24;
	[sflag:s14] =	ssyncadd.s32 $0xFFFFF000  }
0x27: {  	[tilespmem:s15], [sflag:$0x3] =	stream.linear.gather [hbm4b:s24+s28], $0x1000, $0x38;
	[tilespmem:$0x10000] =	vst v63  }
0x28: {  	_ =	swait.ge [sflag:s14], $0x1000  }
0x29: {  	[sflag:s14] =	ssyncset.done $0x0  }
0x2a: {  	[sflag:s14] =	ssyncadd.s32 $0xFFFFF000  }
0x2b: {  	[tilespmem:s17], [sflag:$0x1] =	stream.indirect.gather [hbm4b:s6+s16], $0x40, s28, s16, $0xb8;
	[tilespmem:$0x10000] =	vst v63  }
0x2c: {  	s28 =	simm.s32 $0x80  }
0x2d: {  	[tilespmem:s18], [sflag:$0x2] =	stream.indirect.gather [hbm4b:s6+s16], $0x40, s28, s16, $0xb8;
	[tilespmem:$0x10000] =	vst v63  }
0x2e: {  	_ =	swait.ge [sflag:s19], $0x2000  }
0x2f: {  	[sflag:s19] =	ssyncset.done $0x0  }
0x30: {  	s29 =	simm.s32 $0x1000;
	[sflag:s19] =	ssyncadd.s32 $0xFFFFE000  }
0x31: {  	[spmem:s3] =	stream.indirect.scatter.add.bf16 [tilespmem:s17], [sflag:$0x3], $0x40, s29, s16, $0xb8;
	[tilespmem:$0x10000] =	vst v63  }
0x32: {  	_ =	swait.ge [sflag:s14], $0x2000  }
0x33: {  	[sflag:s14] =	ssyncset.done $0x0  }
0x34: {  	s30 =	simm.s32 $0x100;
	[sflag:s14] =	ssyncadd.s32 $0xFFFFE000  }
0x35: {  	[tilespmem:s17], [sflag:$0x1] =	stream.indirect.gather [hbm4b:s6+s16], $0x40, s30, s16, $0xb8;
	[tilespmem:$0x10000] =	vst v63  }
0x36: {  	_ =	swait.ge [sflag:s20], $0x2000  }
0x37: {  	[sflag:s20] =	ssyncset.done $0x0  }
0x38: {  	s31 =	simm.s32 $0x1080;
	[sflag:s20] =	ssyncadd.s32 $0xFFFFE000  }
0x39: {  	[spmem:s3] =	stream.indirect.scatter.add.bf16 [tilespmem:s18], [sflag:$0x3], $0x40, s31, s16, $0xb8;
	[tilespmem:$0x10000] =	vst v63  }
0x3a: {  	_ =	swait.ge [sflag:s14], $0x2000  }
0x3b: {  	s26 =	simm.s32 $0x800;
	s24 =	simm.s32 $0x100;
	[sflag:s14] =	ssyncset.done $0x0  }
.LBB2_6:
0x3c: {  	s28 =	sadd.s32 $0x80, s24  }
0x3d: {  	[sflag:s14] =	ssyncadd.s32 $0xFFFFE000;
	s29 =	smov.u32 s26;
	s30 =	sadd.s32 $0x400, s26  }
0x3e: {  	[tilespmem:s18], [sflag:$0x2] =	stream.indirect.gather [hbm4b:s6+s16], $0x40, s28, s16, $0xb8;
	[tilespmem:$0x10000] =	vst v63  }
0x3f: {  	p1 =	sne.s32 s26, $0x3800;
	_ =	swait.ge [sflag:s19], $0x2000  }
0x40: {  	[sflag:s19] =	ssyncset.done $0x0  }
0x41: {  	s26 =	sadd.s32 $0x1000, s24;
	[sflag:s19] =	ssyncadd.s32 $0xFFFFE000  }
0x42: {  	[spmem:s3] =	stream.indirect.scatter.add.bf16 [tilespmem:s17], [sflag:$0x3], $0x40, s26, s16, $0xb8;
	[tilespmem:$0x10000] =	vst v63  }
0x43: {  	_ =	swait.ge [sflag:s14], $0x2000  }
0x44: {  	[sflag:s14] =	ssyncset.done $0x0  }
0x45: {  	s26 =	sadd.s32 $0x100, s24;
	[sflag:s14] =	ssyncadd.s32 $0xFFFFE000  }
0x46: {  	[tilespmem:s17], [sflag:$0x1] =	stream.indirect.gather [hbm4b:s6+s16], $0x40, s26, s16, $0xb8;
	[tilespmem:$0x10000] =	vst v63  }
0x47: {  	_ =	swait.ge [sflag:s20], $0x2000  }
.Ltmp3:
0x48: {  	[sflag:s20] =	ssyncset.done $0x0;
	(pc) =	sbr.rel @p1 .LBB2_6-.Ltmp3, $4  }
0x49: {  	s24 =	sadd.s32 $0x1080, s24;
	[sflag:s20] =	ssyncadd.s32 $0xFFFFE000  }
0x4a: {  	[spmem:s3] =	stream.indirect.scatter.add.bf16 [tilespmem:s18], [sflag:$0x3], $0x40, s24, s16, $0xb8;
	[tilespmem:$0x10000] =	vst v63  }
0x4b: {  	_ =	swait.ge [sflag:s14], $0x2000  }
0x4c: {  	s26 =	smov.u32 s30;
	s24 =	sshra.s32 s29, $0x2;
	[sflag:s14] =	ssyncset.done $0x0  }
0x4d: {  	s26 =	sadd.s32 $0x80, s24;
	[sflag:s14] =	ssyncadd.s32 $0xFFFFE000  }
0x4e: {  	[tilespmem:s18], [sflag:$0x2] =	stream.indirect.gather [hbm4b:s6+s16], $0x40, s26, s16, $0xb8;
	[tilespmem:$0x10000] =	vst v63  }
0x4f: {  	_ =	swait.ge [sflag:s19], $0x2000  }
0x50: {  	[sflag:s19] =	ssyncset.done $0x0  }
0x51: {  	s29 =	sadd.s32 $0x1000, s24;
	[sflag:s19] =	ssyncadd.s32 $0xFFFFE000  }
0x52: {  	[spmem:s3] =	stream.indirect.scatter.add.bf16 [tilespmem:s17], [sflag:$0x3], $0x40, s29, s16, $0xb8;
	[tilespmem:$0x10000] =	vst v63  }
0x53: {  	_ =	swait.ge [sflag:s14], $0x2000  }
0x54: {  	[sflag:s14] =	ssyncset.done $0x0  }
0x55: {  	s30 =	sadd.s32 $0x100, s24;
	[sflag:s14] =	ssyncadd.s32 $0xFFFFE000  }
0x56: {  	[tilespmem:s17], [sflag:$0x1] =	stream.indirect.gather [hbm4b:s6+s16], $0x40, s30, s16, $0xb8;
	[tilespmem:$0x10000] =	vst v63  }
0x57: {  	_ =	swait.ge [sflag:s20], $0x2000  }
0x58: {  	[sflag:s20] =	ssyncset.done $0x0  }
0x59: {  	s31 =	sadd.s32 $0x1080, s24;
	[sflag:s20] =	ssyncadd.s32 $0xFFFFE000  }
0x5a: {  	[spmem:s3] =	stream.indirect.scatter.add.bf16 [tilespmem:s18], [sflag:$0x3], $0x40, s31, s16, $0xb8;
	[tilespmem:$0x10000] =	vst v63  }
0x5b: {  	_ =	swait.ge [sflag:s14], $0x2000  }
0x5c: {  	[sflag:s14] =	ssyncset.done $0x0  }
0x5d: {  	[sflag:s14] =	ssyncadd.s32 $0xFFFFE000  }
0x5e: {  	[tilespmem:s18], [sflag:$0x2] =	stream.indirect.gather [hbm4b:s6+s16], $0x40, s21, s16, $0xb8;
	[tilespmem:$0x10000] =	vst v63  }
0x5f: {  	_ =	swait.ge [sflag:s19], $0x2000  }
0x60: {  	[sflag:s19] =	ssyncset.done $0x0  }
0x61: {  	[sflag:s19] =	ssyncadd.s32 $0xFFFFE000  }
0x62: {  	[spmem:s3] =	stream.indirect.scatter.add.bf16 [tilespmem:s17], [sflag:$0x3], $0x40, s22, s16, $0xb8;
	[tilespmem:$0x10000] =	vst v63  }
0x63: {  	_ =	swait.ge [sflag:s14], $0x2000  }
0x64: {  	[sflag:s14] =	ssyncset.done $0x0  }
0x65: {  	[sflag:s14] =	ssyncadd.s32 $0xFFFFE000  }
0x66: {  	_ =	swait.ge [sflag:s20], $0x2000  }
0x67: {  	s25 =	sadd.s32 $0x1, s25;
	[sflag:s20] =	ssyncset.done $0x0  }
0x68: {  	p1 =	sne.s32 s25, $0x5;
	[sflag:s20] =	ssyncadd.s32 $0xFFFFE000  }
0x69: {  	[spmem:s3] =	stream.indirect.scatter.add.bf16 [tilespmem:s18], [sflag:$0x3], $0x40, s23, s16, $0xb8;
	[tilespmem:$0x10000] =	vst v63  }
.Ltmp4:
0x6a: {  	_ = 	snop;
	(pc) =	sbr.rel @p1 .LBB2_5-.Ltmp4, $4  }
.Ltmp5:
0x6b: {  	_ = 	snop;
	(pc) =	sbr.rel @!p1 .LBB2_8-.Ltmp5, $4  }
0x6c: {  	_ =	swait.ge [sflag:s14], $0x2000  }
0x6d: {  	[sflag:s14] =	ssyncset.done $0x0  }
0x6e: {  	[sflag:s14] =	ssyncadd.s32 $0xFFFFE000  }
0x6f: {  	_ = 	snop  }
.LBB2_2:
0x70: {  	s25 =	sshll.u32 s24, $0xC  }
0x71: {  	s25 =	sadd.s32 s10, s25  }
0x72: {  	s25 =	sshrl.u32 s25, $0x3  }
0x73: {  	s28 =	simm.s32 $0x0;
	s26 =	sadd.s32 s7, s25  }
0x74: {  	[tilespmem:s28], [sflag:$0x3] =	stream.linear.gather [hbm4b:s26+s28], $0x1000, $0x38;
	[tilespmem:$0x10000] =	vst v63  }
0x75: {  	_ =	swait.ge [sflag:s14], $0x1000  }
0x76: {  	[sflag:s14] =	ssyncset.done $0x0  }
0x77: {  	s25 =	sadd.s32 s2, s25;
	[sflag:s14] =	ssyncadd.s32 $0xFFFFF000  }
0x78: {  	[tilespmem:s15], [sflag:$0x3] =	stream.linear.gather [hbm4b:s25+s28], $0x1000, $0x38;
	[tilespmem:$0x10000] =	vst v63  }
0x79: {  	_ =	swait.ge [sflag:s14], $0x1000  }
0x7a: {  	[sflag:s14] =	ssyncset.done $0x0  }
0x7b: {  	[sflag:s14] =	ssyncadd.s32 $0xFFFFF000  }
0x7c: {  	[tilespmem:s17], [sflag:$0x1] =	stream.indirect.gather [hbm4b:s5+s16], $0x40, s28, s16, $0xb8;
	[tilespmem:$0x10000] =	vst v63  }
0x7d: {  	s28 =	simm.s32 $0x80  }
0x7e: {  	[tilespmem:s18], [sflag:$0x2] =	stream.indirect.gather [hbm4b:s5+s16], $0x40, s28, s16, $0xb8;
	[tilespmem:$0x10000] =	vst v63  }
0x7f: {  	_ =	swait.ge [sflag:s19], $0x2000  }
0x80: {  	[sflag:s19] =	ssyncset.done $0x0  }
0x81: {  	s29 =	simm.s32 $0x1000;
	[sflag:s19] =	ssyncadd.s32 $0xFFFFE000  }
0x82: {  	[spmem:s3] =	stream.indirect.scatter.add.bf16 [tilespmem:s17], [sflag:$0x3], $0x40, s29, s16, $0xb8;
	[tilespmem:$0x10000] =	vst v63  }
0x83: {  	_ =	swait.ge [sflag:s14], $0x2000  }
0x84: {  	[sflag:s14] =	ssyncset.done $0x0  }
0x85: {  	s30 =	simm.s32 $0x100;
	[sflag:s14] =	ssyncadd.s32 $0xFFFFE000  }
0x86: {  	[tilespmem:s17], [sflag:$0x1] =	stream.indirect.gather [hbm4b:s5+s16], $0x40, s30, s16, $0xb8;
	[tilespmem:$0x10000] =	vst v63  }
0x87: {  	_ =	swait.ge [sflag:s20], $0x2000  }
0x88: {  	[sflag:s20] =	ssyncset.done $0x0  }
0x89: {  	s31 =	simm.s32 $0x1080;
	[sflag:s20] =	ssyncadd.s32 $0xFFFFE000  }
0x8a: {  	[spmem:s3] =	stream.indirect.scatter.add.bf16 [tilespmem:s18], [sflag:$0x3], $0x40, s31, s16, $0xb8;
	[tilespmem:$0x10000] =	vst v63  }
0x8b: {  	_ =	swait.ge [sflag:s14], $0x2000  }
0x8c: {  	s26 =	simm.s32 $0x800;
	s25 =	simm.s32 $0x100;
	[sflag:s14] =	ssyncset.done $0x0  }
.LBB2_3:
0x8d: {  	s28 =	sadd.s32 $0x80, s25  }
0x8e: {  	[sflag:s14] =	ssyncadd.s32 $0xFFFFE000;
	s29 =	smov.u32 s26;
	s30 =	sadd.s32 $0x400, s26  }
0x8f: {  	[tilespmem:s18], [sflag:$0x2] =	stream.indirect.gather [hbm4b:s5+s16], $0x40, s28, s16, $0xb8;
	[tilespmem:$0x10000] =	vst v63  }
0x90: {  	p1 =	sne.s32 s26, $0x3800;
	_ =	swait.ge [sflag:s19], $0x2000  }
0x91: {  	[sflag:s19] =	ssyncset.done $0x0  }
0x92: {  	s26 =	sadd.s32 $0x1000, s25;
	[sflag:s19] =	ssyncadd.s32 $0xFFFFE000  }
0x93: {  	[spmem:s3] =	stream.indirect.scatter.add.bf16 [tilespmem:s17], [sflag:$0x3], $0x40, s26, s16, $0xb8;
	[tilespmem:$0x10000] =	vst v63  }
0x94: {  	_ =	swait.ge [sflag:s14], $0x2000  }
0x95: {  	[sflag:s14] =	ssyncset.done $0x0  }
0x96: {  	s26 =	sadd.s32 $0x100, s25;
	[sflag:s14] =	ssyncadd.s32 $0xFFFFE000  }
0x97: {  	[tilespmem:s17], [sflag:$0x1] =	stream.indirect.gather [hbm4b:s5+s16], $0x40, s26, s16, $0xb8;
	[tilespmem:$0x10000] =	vst v63  }
0x98: {  	_ =	swait.ge [sflag:s20], $0x2000  }
.Ltmp6:
0x99: {  	[sflag:s20] =	ssyncset.done $0x0;
	(pc) =	sbr.rel @p1 .LBB2_3-.Ltmp6, $4  }
0x9a: {  	s25 =	sadd.s32 $0x1080, s25;
	[sflag:s20] =	ssyncadd.s32 $0xFFFFE000  }
0x9b: {  	[spmem:s3] =	stream.indirect.scatter.add.bf16 [tilespmem:s18], [sflag:$0x3], $0x40, s25, s16, $0xb8;
	[tilespmem:$0x10000] =	vst v63  }
0x9c: {  	_ =	swait.ge [sflag:s14], $0x2000  }
0x9d: {  	s26 =	smov.u32 s30;
	s25 =	sshra.s32 s29, $0x2;
	[sflag:s14] =	ssyncset.done $0x0  }
0x9e: {  	s26 =	sadd.s32 $0x80, s25;
	[sflag:s14] =	ssyncadd.s32 $0xFFFFE000  }
0x9f: {  	[tilespmem:s18], [sflag:$0x2] =	stream.indirect.gather [hbm4b:s5+s16], $0x40, s26, s16, $0xb8;
	[tilespmem:$0x10000] =	vst v63  }
0xa0: {  	_ =	swait.ge [sflag:s19], $0x2000  }
0xa1: {  	[sflag:s19] =	ssyncset.done $0x0  }
0xa2: {  	s29 =	sadd.s32 $0x1000, s25;
	[sflag:s19] =	ssyncadd.s32 $0xFFFFE000  }
0xa3: {  	[spmem:s3] =	stream.indirect.scatter.add.bf16 [tilespmem:s17], [sflag:$0x3], $0x40, s29, s16, $0xb8;
	[tilespmem:$0x10000] =	vst v63  }
0xa4: {  	_ =	swait.ge [sflag:s14], $0x2000  }
0xa5: {  	[sflag:s14] =	ssyncset.done $0x0  }
0xa6: {  	s30 =	sadd.s32 $0x100, s25;
	[sflag:s14] =	ssyncadd.s32 $0xFFFFE000  }
0xa7: {  	[tilespmem:s17], [sflag:$0x1] =	stream.indirect.gather [hbm4b:s5+s16], $0x40, s30, s16, $0xb8;
	[tilespmem:$0x10000] =	vst v63  }
0xa8: {  	_ =	swait.ge [sflag:s20], $0x2000  }
0xa9: {  	[sflag:s20] =	ssyncset.done $0x0  }
0xaa: {  	s31 =	sadd.s32 $0x1080, s25;
	[sflag:s20] =	ssyncadd.s32 $0xFFFFE000  }
0xab: {  	[spmem:s3] =	stream.indirect.scatter.add.bf16 [tilespmem:s18], [sflag:$0x3], $0x40, s31, s16, $0xb8;
	[tilespmem:$0x10000] =	vst v63  }
0xac: {  	_ =	swait.ge [sflag:s14], $0x2000  }
0xad: {  	[sflag:s14] =	ssyncset.done $0x0  }
0xae: {  	[sflag:s14] =	ssyncadd.s32 $0xFFFFE000  }
0xaf: {  	[tilespmem:s18], [sflag:$0x2] =	stream.indirect.gather [hbm4b:s5+s16], $0x40, s21, s16, $0xb8;
	[tilespmem:$0x10000] =	vst v63  }
0xb0: {  	_ =	swait.ge [sflag:s19], $0x2000  }
0xb1: {  	[sflag:s19] =	ssyncset.done $0x0  }
0xb2: {  	[sflag:s19] =	ssyncadd.s32 $0xFFFFE000  }
0xb3: {  	[spmem:s3] =	stream.indirect.scatter.add.bf16 [tilespmem:s17], [sflag:$0x3], $0x40, s22, s16, $0xb8;
	[tilespmem:$0x10000] =	vst v63  }
0xb4: {  	_ =	swait.ge [sflag:s14], $0x2000  }
0xb5: {  	[sflag:s14] =	ssyncset.done $0x0  }
0xb6: {  	[sflag:s14] =	ssyncadd.s32 $0xFFFFE000  }
0xb7: {  	_ =	swait.ge [sflag:s20], $0x2000  }
0xb8: {  	s24 =	sadd.s32 $0x1, s24;
	[sflag:s20] =	ssyncset.done $0x0  }
0xb9: {  	p1 =	seq.s32 s24, $0x5;
	[sflag:s20] =	ssyncadd.s32 $0xFFFFE000  }
0xba: {  	[spmem:s3] =	stream.indirect.scatter.add.bf16 [tilespmem:s18], [sflag:$0x3], $0x40, s23, s16, $0xb8;
	[tilespmem:$0x10000] =	vst v63  }
.Ltmp7:
0xbb: {  	_ = 	snop;
	(pc) =	sbr.rel @!p1 .LBB2_2-.Ltmp7, $4  }
.Ltmp8:
0xbc: {  	_ = 	snop;
	(pc) =	sbr.rel @p1 .LBB2_8-.Ltmp8, $4  }
0xbd: {  	_ =	swait.ge [sflag:s14], $0x2000  }
0xbe: {  	[sflag:s14] =	ssyncset.done $0x0  }
0xbf: {  	[sflag:s14] =	ssyncadd.s32 $0xFFFFE000  }
0xc0: {  	_ = 	snop  }
.LBB2_9:
0xc1: {  	_ =	sfence.sel $0x180000  }
0xc2: {  	[bflag:$0x0] =	sbarrier.arrive $0xFFFF  }
0xc3: {  	p0 =	sne.s32 s1, $0x0;
	_ =	strace $0x9000004A  }
0xc4: {  	s0 =	sadd.s32 @!p0 $0x100000, s0;
	[bflag:$0x2] =	sbarrier.arrive $0xFFFF  }
0xc5: {  	[sflag:s0] =	ssyncadd.tile.s32 @!p0 $0x1;
	_ =	shalt  }
.Lfunc_end2:
_tile_overlayer_lowered:
.L_overlay_start_2:
0xc6: {  	(tag) =	ssettag $0x2  }
0xc7: {  	s0 =	rddreg [dreg:$0x0];
	s2 =	stileid.u32  }
0xc8: {  	s1 =	rddreg [dreg:$0x1];
	p0 =	sne.s32 s2, $0x0  }
0xc9: {  	s3 =	rddreg [dreg:$0x2];
	[bflag:$0x3] =	sbarrier.arrive $0xFFFF;
	s2 =	simm.s32 @!p0 $0x1C03  }
0xca: {  	[timem:s3], [sflag:s2] =	dma.local @!p0 [hbm:s0], s1  }
0xcb: {  	s0 =	simm.s32 @!p0 $0x3  }
0xcc: {  	_ =	swait.ge @!p0 [sflag:s0], s1  }
0xcd: {  	s1 =	ssub.s32 @!p0 $0x0, s1;
	[sflag:s0] =	ssyncset.done @!p0 $0x0  }
0xce: {  	[sflag:s0] =	ssyncadd.s32 @!p0 s1  }
0xcf: {  	[bflag:$0x3] =	sbarrier.arrive $0xFFFF  }
0xd0: {  	_ =	shalt  }

// kernel: kernel.14.cloned.1.call-start
scs
__scs_entry_jumppad:
0x0: {  	(pc) =	sbr.rel $0x88, $3  }
0x1: {  	(tag) =	ssettag $0x0;
	lr =	simm.s32 $0x1  }
0x2: {  	[smem:$0x3F9B] =	sst lr;
	_ =	strace $0xD0000000  }
0x3: {  	_ = 	snop  }
0x4: {  	_ = 	snop  }
0x5: {  	_ = 	snop  }
0x6: {  	_ = 	snop  }
0x7: {  	_ = 	snop  }
__scs_overlays_trampoline_lowered:
0x8: {  	[smem:$0x3FAA] =	sst s0  }
0x9: {  	[smem:$0x3FAB] =	sst s1  }
0xa: {  	[smem:$0x3FAC] =	sst s2  }
0xb: {  	[smem:$0x3FAD] =	sst s3  }
0xc: {  	[smem:$0x3FAE] =	sst s4  }
0xd: {  	[smem:$0x3FAF] =	sst s5  }
0xe: {  	[smem:$0x3FB0] =	sst s6  }
0xf: {  	[smem:$0x3FB1] =	sst s7  }
0x10: {  	[smem:$0x3FB2] =	sst s8  }
0x11: {  	[smem:$0x3FB3] =	sst s9;
	s0 =	simm.s32 @!p0 $0x0  }
0x12: {  	s1 =	sld [smem:$0x3F99];
	s0 =	simm.s32 @p0 $0x1  }
0x13: {  	[smem:$0x3FB4] =	sst s0;
	s0 =	simm.s32 @!p1 $0x0  }
0x14: {  	s2 =	sld [smem:$0x3F98];
	s0 =	simm.s32 @p1 $0x1  }
0x15: {  	[smem:$0x3FB5] =	sst s0;
	s0 =	simm.s32 @!p2 $0x0  }
0x16: {  	s3 =	sld [smem:$0x3FDB];
	s0 =	simm.s32 @p2 $0x1  }
0x17: {  	s4 =	simm.s32 $0x1BF5;
	[smem:$0x3FB7] =	sst s0  }
0x18: {  	s0 =	sld [smem:$0x3F9A];
	_ =	swait.ge [sflag:s4], $0x0  }
0x19: {  	s7 =	sld [smem:$0x3F9B]  }
0x1a: {  	s8 =	sadd.s32 $0xFFFFE003, lr  }
0x1b: {  	s9 =	sadd.s32 $0xFFFFFEF7, lr;
	s5 =	simm.s32 $0xFFFFFFFF;
	p2 =	slt.u32 s8, $0xFFFFF086  }
0x1c: {  	p1 =	slt.u32 s9, $0xF7A;
	s5 =	simm.s32 @!p2 $0x0  }
0x1d: {  	s5 =	simm.s32 @p1 $0x1;
	p0 =	seq.s32 s7, s2  }
0x1e: {  	s7 =	smul.u32 @!p0 $0xF7A, s2;
	p2 =	seq.s32 @!p0 s5, $0x0  }
0x1f: {  	s9 =	smul.u32 $0xF7A, s1;
	s8 =	simm.s32 @!p0 $0x1BF5;
	p2 =	por !p2, p0  }
0x20: {  	[sflag:s8] =	ssyncset.s32 @!p0 $0xFFFFF086;
	s6 =	sadd.s32 @!p0 s3, s7;
	s7 =	simm.s32 @!p0 $0x108  }
0x21: {  	s3 =	sadd.s32 s3, s9;
	s6 =	sadd.s32 @!p0 $0x88, s6;
	s7 =	simm.s32 @p2 $0x1082  }
0x22: {  	[simem:s7], [sflag:s8] =	dma.local @!p0 [hbm:s6], $0xF7A  }
0x23: {  	s9 =	sor.u32 $0xD0000000, s2;
	s6 =	simm.s32 $0x108;
	_ =	swait.ge @!p0 [sflag:s8], $0x0  }
0x24: {  	s3 =	sadd.s32 $0x88, s3;
	s6 =	simm.s32 @!p1 $0x1082;
	[sflag:s4] =	ssyncset.s32 $0xFFFFF086  }
0x25: {  	[simem:s6], [sflag:s4] =	dma.local [hbm:s3], $0xF7A  }
0x26: {  	[smem:$0x3F9B] =	sst s1;
	(tag) =	ssettag s2;
	_ =	strace s9  }
0x27: {  	s1 =	sld [smem:$0x3FAB]  }
0x28: {  	s2 =	sld [smem:$0x3FAC]  }
0x29: {  	s4 =	sld [smem:$0x3FAE]  }
0x2a: {  	p0 =	seq.s32 s5, $0x0;
	s5 =	sld [smem:$0x3FAF]  }
0x2b: {  	s6 =	sld [smem:$0x3FB0]  }
0x2c: {  	s7 =	sld [smem:$0x3FB1]  }
0x2d: {  	s3 =	simm.s32 $0x108;
	s8 =	sld [smem:$0x3FB2]  }
0x2e: {  	s3 =	simm.s32 @!p0 $0x1082;
	s9 =	sld [smem:$0x3FB3]  }
0x2f: {  	lr =	sadd.s32 s0, s3;
	s0 =	sld [smem:$0x3FAA]  }
0x30: {  	s3 =	sld [smem:$0x3FAD]  }
0x31: {  	[smem:$0x3FB6] =	sst s10  }
0x32: {  	s10 =	sld [smem:$0x3FB4];
	_ =	sdelay $0x3  }
0x33: {  	p0 =	seq.s32 s10, $0x1;
	s10 =	sld [smem:$0x3FB6];
	_ =	sdelay $0x3  }
0x34: {  	[smem:$0x3FB6] =	sst s10  }
0x35: {  	s10 =	sld [smem:$0x3FB5];
	_ =	sdelay $0x3  }
0x36: {  	p1 =	seq.s32 s10, $0x1;
	s10 =	sld [smem:$0x3FB6];
	_ =	sdelay $0x3  }
0x37: {  	[smem:$0x3FB6] =	sst s10  }
0x38: {  	s10 =	sld [smem:$0x3FB7]  }
0x39: {  	_ = 	snop;
	(pc) =	sbr.ind lr, $3  }
0x3a: {  	_ = 	snop  }
0x3b: {  	_ = 	snop  }
0x3c: {  	p2 =	seq.s32 s10, $0x1;
	s10 =	sld [smem:$0x3FB6]  }
0x3d: {  	_ =	shalt  }
0x3e: {  	_ =	shalt  }
0x3f: {  	_ =	shalt  }
0x40: {  	_ =	shalt  }
0x41: {  	_ =	shalt  }
0x42: {  	_ =	shalt  }
0x43: {  	_ =	shalt  }
0x44: {  	_ =	shalt  }
0x45: {  	_ =	shalt  }
0x46: {  	_ =	shalt  }
0x47: {  	_ =	shalt  }
0x48: {  	_ =	shalt  }
0x49: {  	_ =	shalt  }
0x4a: {  	_ =	shalt  }
0x4b: {  	_ =	shalt  }
0x4c: {  	_ =	shalt  }
0x4d: {  	_ =	shalt  }
0x4e: {  	_ =	shalt  }
0x4f: {  	_ =	shalt  }
0x50: {  	_ =	shalt  }
0x51: {  	_ =	shalt  }
0x52: {  	_ =	shalt  }
0x53: {  	_ =	shalt  }
0x54: {  	_ =	shalt  }
0x55: {  	_ =	shalt  }
0x56: {  	_ =	shalt  }
0x57: {  	_ =	shalt  }
0x58: {  	_ =	shalt  }
0x59: {  	_ =	shalt  }
0x5a: {  	_ =	shalt  }
0x5b: {  	_ =	shalt  }
0x5c: {  	_ =	shalt  }
0x5d: {  	_ =	shalt  }
0x5e: {  	_ =	shalt  }
0x5f: {  	_ =	shalt  }
0x60: {  	_ =	shalt  }
0x61: {  	_ =	shalt  }
0x62: {  	_ =	shalt  }
0x63: {  	_ =	shalt  }
0x64: {  	_ =	shalt  }
0x65: {  	_ =	shalt  }
0x66: {  	_ =	shalt  }
0x67: {  	_ =	shalt  }
0x68: {  	_ =	shalt  }
0x69: {  	_ =	shalt  }
0x6a: {  	_ =	shalt  }
0x6b: {  	_ =	shalt  }
0x6c: {  	_ =	shalt  }
0x6d: {  	_ =	shalt  }
0x6e: {  	_ =	shalt  }
0x6f: {  	_ =	shalt  }
0x70: {  	_ =	shalt  }
0x71: {  	_ =	shalt  }
0x72: {  	_ =	shalt  }
0x73: {  	_ =	shalt  }
0x74: {  	_ =	shalt  }
0x75: {  	_ =	shalt  }
0x76: {  	_ =	shalt  }
0x77: {  	_ =	shalt  }
0x78: {  	_ =	shalt  }
0x79: {  	_ =	shalt  }
0x7a: {  	_ =	shalt  }
0x7b: {  	_ =	shalt  }
0x7c: {  	_ =	shalt  }
0x7d: {  	_ =	shalt  }
0x7e: {  	_ =	shalt  }
0x7f: {  	_ =	shalt  }
0x80: {  	_ =	shalt  }
0x81: {  	_ =	shalt  }
0x82: {  	_ =	shalt  }
0x83: {  	_ =	shalt  }
0x84: {  	_ =	shalt  }
0x85: {  	_ =	shalt  }
0x86: {  	_ =	shalt  }
0x87: {  	_ =	shalt  }
.Lfunc_end0:
.L_simem_size_0:
called_computation.2_lowered:
.L_overlay_start_0:
0x88: {  	s2 =	sld [smem:$0x3FD9]  }
0x89: {  	s3 =	sld [smem:$0x3FFE];
	_ =	sdelay $0x1  }
0x8a: {  	s1 =	srdreg.scid  }
0x8b: {  	s0 =	sand.u32 $0x1, s1  }
0x8c: {  	s17 =	sshll.u32 s0, $0xA;
	s2 =	sadd.s32 s3, s2  }
0x8d: {  	s2 =	sadd.s32 s2, s17  }
0x8e: {  	[smem:$0x3FC2] =	sst s2  }
0x8f: {  	_ = 	snop  }
0x90: {  	s2 =	sld [smem:$0x3FD0];
	(tm) =	ssettm $0x1  }
0x91: {  	s18 =	sld [smem:$0x3FFB];
	_ =	sdelay $0x3  }
0x92: {  	_ =	strace s18  }
0x93: {  	s3 =	sld [smem:$0x3FFC];
	_ =	sdelay $0x3  }
0x94: {  	_ =	strace s3  }
0x95: {  	s3 =	sld [smem:$0x3FFD];
	_ =	sdelay $0x3  }
0x96: {  	_ =	strace s3  }
0x97: {  	_ =	strace $0x8FFFFFFF  }
0x98: {  	s19 =	sld [smem:$0x3FDB];
	_ =	sdelay $0x1  }
0x99: {  	s4 =	simm.s32 $_scs_section_size  }
0x9a: {  	s5 =	simm.s32 $_size__tile_overlayer_lowered;
	s6 =	simm.s32 $_tile_overlayer_lowered  }
0x9b: {  	s22 =	simm.s32 $0x1BFF;
	s21 =	sshll.u32 s6, $0x1;
	s3 =	sadd.s32 s4, s19  }
0x9c: {  	s7 =	simm.s32 $0x0;
	s20 =	sshll.u32 s5, $0x1;
	s5 =	sadd.s32 s21, s3  }
0x9d: {  	[timem:s7], [sflag:s22] =	dma.local [hbm:s5], s20  }
0x9e: {  	_ =	swait.ge [sflag:s22], s20  }
0x9f: {  	s4 =	ssub.s32 $0x0, s20;
	[sflag:s22] =	ssyncset.done $0x0  }
0xa0: {  	[sflag:s22] =	ssyncadd.s32 s4;
	_ =	sdelay $0x1  }
0xa1: {  	s23 =	simm.s32 $0x1B8B  }
0xa2: {  	_ =	swait.ge [sflag:s23], $0x1  }
0xa3: {  	[sflag:s23] =	ssyncset.done $0x0  }
0xa4: {  	s25 =	simm.s32 $0x1B8E;
	s24 =	sld [smem:$0x3FFE];
	[sflag:s23] =	ssyncadd.s32 $0xFFFFFFFF  }
0xa5: {  	s26 =	simm.s32 $execute0_lowered;
	[smem:$0x3FD2] =	sst s25  }
0xa6: {  	s5 =	sshll.u32 s26, $0x1;
	_ =	strace $0x8000004C;
	[dreg:$0x1] =	wrdreg $0xFFFFFFFF  }
0xa7: {  	s28 =	simm.s32 $_size_execute0_lowered;
	s3 =	sadd.s32 s3, s5;
	[dreg:$0x0] =	wrdreg $0x0  }
0xa8: {  	s5 =	sshll.u32 s28, $0x1;
	[dreg:$0x2] =	wrdreg s3  }
0xa9: {  	[dreg:$0x3] =	wrdreg s5  }
0xaa: {  	[dreg:$0x4] =	wrdreg $0xC0  }
0xab: {  	_ =	task [dreg:s7], $0x5FFFF  }
0xac: {  	[dreg:$0x1] =	wrdreg $0xFFFFFFFF  }
0xad: {  	[dreg:$0x0] =	wrdreg $0x60  }
0xae: {  	[dreg:$0x2] =	wrdreg s24  }
0xaf: {  	[dreg:$0x3] =	wrdreg s2  }
0xb0: {  	[dreg:$0x4] =	wrdreg $0x30000  }
0xb1: {  	[dreg:$0x5] =	wrdreg $0x9  }
0xb2: {  	_ =	task.clear_ibuf [dreg:s7], $0x6FFFF;
	_ =	strace $0x9000004C  }
0xb3: {  	s29 =	simm.s32 $0x9;
	_ =	strace $0x8000004E  }
0xb4: {  	_ =	swait.ge [sflag:s29], $0x1  }
0xb5: {  	[sflag:s29] =	ssyncadd.s32 $0xFFFFFFFF  }
0xb6: {  	_ =	strace $0x9000004E  }
0xb7: {  	_ =	sfence  }
0xb8: {  	s30 =	sld [smem:$0x0];
	_ =	sdelay $0x2  }
0xb9: {  	s31 =	sshll.u32 s1, $0xD;
	s1 =	sshrl.u32 s1, $0x2  }
0xba: {  	s3 =	sand.u32 $0x4000, s31;
	s1 =	sadd.s32 s1, s30  }
0xbb: {  	s0 =	sor.u32 s3, s0;
	s1 =	sshll.u32 s1, $0x11  }
0xbc: {  	s0 =	sor.u32 s1, s0  }
0xbd: {  	s0 =	sadd.s32 $0x8F2B, s0  }
0xbe: {  	[sflag:s0] =	ssyncadd.remote.s32 $0x1  }
0xbf: {  	_ =	sfence.sel $0xFFFF  }
0xc0: {  	[dreg:$0x0] =	wrdreg $0xFFFFFFFF;
	(pc) =	sbr.abs _section_cstart, $3  }
0xc1: {  	[dreg:$0x1] =	wrdreg $0xFFFFFFFF  }
0xc2: {  	_ =	task.clear_ibuf [dreg:s7], $0x2FFFF;
	_ =	strace $0x9FFFFFFF  }
0xc3: {  	(tm) =	ssettm $0x7FFFFFFF  }
tec
execute0_lowered:
.L_overlay_start_1:
0x0: {  	(tag) =	ssettag $0x1  }
0x1: {  	s0 =	rddreg [dreg:$0x0]  }
0x2: {  	s1 =	rddreg [dreg:$0x1]  }
0x3: {  	s3 =	srdreg.scid;
	s2 =	rddreg [dreg:$0x2]  }
0x4: {  	s13 =	stileid.u32;
	s14 =	simm.s32 $0x880;
	s16 =	simm.s32 $0x180  }
0x5: {  	s17 =	simm.s32 $0x900;
	s18 =	simm.s32 $0x200;
	s20 =	simm.s32 $0x980  }
0x6: {  	s21 =	simm.s32 $0x280;
	s5 =	sand.u32 $0x1, s3;
	s3 =	simm.s32 $0x0  }
0x7: {  	s22 =	simm.s32 $0xA00;
	s23 =	simm.s32 $0x300;
	[smem:$0x7FF] =	sst s3  }
0x8: {  	s28 =	simm.s32 $0x680;
	_ =	strace $0x8000004D;
	[dreg:$0x7] =	wrdreg s14  }
0x9: {  	s29 =	simm.s32 $0xE00;
	s30 =	simm.s32 $0x700;
	[dreg:$0x8] =	wrdreg s16  }
0xa: {  	s31 =	simm.s32 $0xE80;
	s7 =	smul.u32 $0xA000, s13;
	[dreg:$0x9] =	wrdreg s17  }
0xb: {  	s8 =	smul.u32 $0xA00, s13;
	s4 =	sadd.s32 $0xCC00, s0;
	[dreg:$0xa] =	wrdreg s18  }
0xc: {  	s12 =	smul.u32 $0x500, s13;
	s15 =	sshll.u32 s13, $0x6;
	[dreg:$0xb] =	wrdreg s20  }
0xd: {  	s13 =	simm.s32 $0x1000;
	s6 =	smul.u32 $0x5000, s5;
	[dreg:$0xc] =	wrdreg s21  }
0xe: {  	s9 =	smul.u32 $0xA000, s5;
	s5 =	ssub.s32 $0x2, s5;
	[dreg:$0xd] =	wrdreg s22  }
0xf: {  	s11 =	sshrl.u32 s7, $0x4;
	s24 =	sshrl.u32 s5, $0x1;
	[dreg:$0xe] =	wrdreg s23  }
0x10: {  	s14 =	simm.s32 $0x2000;
	s16 =	simm.s32 $0x2;
	s17 =	simm.s32 $0x400  }
0x11: {  	s18 =	simm.s32 $0xB80;
	s20 =	simm.s32 $0xC00;
	s21 =	simm.s32 $0x500  }
0x12: {  	s22 =	simm.s32 $0xC80;
	s23 =	simm.s32 $0x580;
	s10 =	sadd.s32 s6, s0  }
0x13: {  	s11 =	sadd.s32 s11, s0;
	s8 =	sadd.s32 s8, s9;
	s5 =	ssub.s32 s5, s24  }
0x14: {  	s1 =	sadd.s32 s6, s1;
	s9 =	sshrl.u32 s7, $0x1;
	s7 =	sor.u32 $0x1C03, s15  }
0x15: {  	s24 =	simm.s32 $0xA80;
	s15 =	simm.s32 $0x1;
	s0 =	sadd.s32 s8, s0  }
0x16: {  	s25 =	sadd.s32 s12, s10;
	s1 =	sadd.s32 s12, s1;
	[dreg:$0xf] =	wrdreg s24  }
0x17: {  	s6 =	sadd.s32 s9, s2;
	s10 =	simm.s32 $0x100;
	[dreg:$0x13] =	wrdreg s7  }
0x18: {  	s12 =	sadd.s32 $0x2C00, s11;
	s19 =	smax.u32 s5, $0x1;
	[dreg:$0x5] =	wrdreg s1  }
0x19: {  	s11 =	simm.s32 $0x800;
	s24 =	simm.s32 $0xD00;
	[dreg:$0x12] =	wrdreg s12  }
0x1a: {  	s5 =	simm.s32 $0xF80;
	s9 =	simm.s32 $0x0;
	[dreg:$0x6] =	wrdreg s10  }
0x1b: {  	s26 =	sadd.s32 $0x70C00, s25;
	s0 =	sadd.s32 $0x48C00, s0;
	[dreg:$0x15] =	wrdreg s19  }
0x1c: {  	s8 =	sshrl.u32 s6, $0x3;
	s10 =	simm.s32 $0x3;
	[dreg:$0x4] =	wrdreg s26  }
0x1d: {  	s12 =	simm.s32 $0x80;
	s25 =	simm.s32 $0x380;
	[dreg:$0x14] =	wrdreg s0  }
0x1e: {  	s19 =	simm.s32 $0x480;
	s1 =	simm.s32 $0xF00;
	[dreg:$0x10] =	wrdreg s25  }
0x1f: {  	s26 =	simm.s32 $0xB00;
	s25 =	simm.s32 $0x600;
	[dreg:$0x16] =	wrdreg s8  }
0x20: {  	s0 =	simm.s32 $0x780;
	[dreg:$0x11] =	wrdreg s26;
	s26 =	simm.s32 $0xD80  }
.LBB2_1:
0x21: {  	[dreg:$0x17] =	wrdreg s9  }
0x22: {  	s6 =	rddreg [dreg:$0x12]  }
0x23: {  	[spmem:s8], [sflag:s7] =	dma.local [hbm:s6], $0xA00  }
0x24: {  	_ =	swait.ge [sflag:s10], $0xA00  }
0x25: {  	[sflag:s10] =	ssyncset.done $0x0  }
0x26: {  	[sflag:s10] =	ssyncadd.s32 $0xFFFFF600  }
0x27: {  	[bflag:$0x0] =	sbarrier.arrive $0xFFFF  }
0x28: {  	s8 =	rddreg [dreg:$0x4]  }
0x29: {  	s6 =	sadd.s32 $0x0, s8  }
0x2a: {  	[tilespmem:s3], [sflag:$0x3] =	stream.linear.gather [hbm4b:s6+s3], $0x800, $0x38;
	[tilespmem:$0x8000] =	vst v63  }
0x2b: {  	_ =	swait.ge [sflag:s10], $0x800  }
0x2c: {  	s9 =	rddreg [dreg:$0x5];
	[sflag:s10] =	ssyncset.done $0x0  }
0x2d: {  	[sflag:s10] =	ssyncadd.s32 $0xFFFFF800;
	s6 =	sadd.s32 $0x0, s9  }
0x2e: {  	[tilespmem:s11], [sflag:$0x3] =	stream.linear.gather [hbm4b:s6+s3], $0x800, $0x38;
	[tilespmem:$0x8000] =	vst v63  }
0x2f: {  	_ =	swait.ge [sflag:s10], $0x800  }
0x30: {  	[sflag:s10] =	ssyncset.done $0x0  }
0x31: {  	[sflag:s10] =	ssyncadd.s32 $0xFFFFF800  }
0x32: {  	[tilespmem:s13], [sflag:$0x1] =	stream.indirect.gather [hbm4b:s4+s12], $0x20, s3, s12, $0xb8;
	[tilespmem:$0x8000] =	vst v63  }
0x33: {  	_ = 	snop  }
0x34: {  	[tilespmem:s14], [sflag:$0x2] =	stream.indirect.gather [hbm4b:s4+s12], $0x20, s12, s12, $0xb8;
	[tilespmem:$0x8000] =	vst v63  }
0x35: {  	_ =	swait.ge [sflag:s15], $0x1000  }
0x36: {  	[sflag:s15] =	ssyncset.done $0x0  }
0x37: {  	[sflag:s15] =	ssyncadd.s32 $0xFFFFF000  }
0x38: {  	[spmem:s2] =	stream.indirect.scatter.add.bf16 [tilespmem:s13], [sflag:$0x3], $0x20, s11, s12, $0xb8;
	[tilespmem:$0x8000] =	vst v63  }
0x39: {  	_ =	swait.ge [sflag:s10], $0x1000  }
0x3a: {  	[sflag:s10] =	ssyncset.done $0x0  }
0x3b: {  	s7 =	rddreg [dreg:$0x6];
	[sflag:s10] =	ssyncadd.s32 $0xFFFFF000  }
0x3c: {  	[tilespmem:s13], [sflag:$0x1] =	stream.indirect.gather [hbm4b:s4+s12], $0x20, s7, s12, $0xb8;
	[tilespmem:$0x8000] =	vst v63  }
0x3d: {  	_ =	swait.ge [sflag:s16], $0x1000  }
0x3e: {  	[sflag:s16] =	ssyncset.done $0x0  }
0x3f: {  	s8 =	rddreg [dreg:$0x7];
	[sflag:s16] =	ssyncadd.s32 $0xFFFFF000  }
0x40: {  	[spmem:s2] =	stream.indirect.scatter.add.bf16 [tilespmem:s14], [sflag:$0x3], $0x20, s8, s12, $0xb8;
	[tilespmem:$0x8000] =	vst v63  }
0x41: {  	_ =	swait.ge [sflag:s10], $0x1000  }
0x42: {  	[sflag:s10] =	ssyncset.done $0x0  }
0x43: {  	s9 =	rddreg [dreg:$0x8];
	[sflag:s10] =	ssyncadd.s32 $0xFFFFF000  }
0x44: {  	[tilespmem:s14], [sflag:$0x2] =	stream.indirect.gather [hbm4b:s4+s12], $0x20, s9, s12, $0xb8;
	[tilespmem:$0x8000] =	vst v63  }
0x45: {  	_ =	swait.ge [sflag:s15], $0x1000  }
0x46: {  	[sflag:s15] =	ssyncset.done $0x0  }
0x47: {  	s7 =	rddreg [dreg:$0x9];
	[sflag:s15] =	ssyncadd.s32 $0xFFFFF000  }
0x48: {  	[spmem:s2] =	stream.indirect.scatter.add.bf16 [tilespmem:s13], [sflag:$0x3], $0x20, s7, s12, $0xb8;
	[tilespmem:$0x8000] =	vst v63  }
0x49: {  	_ =	swait.ge [sflag:s10], $0x1000  }
0x4a: {  	[sflag:s10] =	ssyncset.done $0x0  }
0x4b: {  	s8 =	rddreg [dreg:$0xa];
	[sflag:s10] =	ssyncadd.s32 $0xFFFFF000  }
0x4c: {  	[tilespmem:s13], [sflag:$0x1] =	stream.indirect.gather [hbm4b:s4+s12], $0x20, s8, s12, $0xb8;
	[tilespmem:$0x8000] =	vst v63  }
0x4d: {  	_ =	swait.ge [sflag:s16], $0x1000  }
0x4e: {  	[sflag:s16] =	ssyncset.done $0x0  }
0x4f: {  	s9 =	rddreg [dreg:$0xb];
	[sflag:s16] =	ssyncadd.s32 $0xFFFFF000  }
0x50: {  	[spmem:s2] =	stream.indirect.scatter.add.bf16 [tilespmem:s14], [sflag:$0x3], $0x20, s9, s12, $0xb8;
	[tilespmem:$0x8000] =	vst v63  }
0x51: {  	_ =	swait.ge [sflag:s10], $0x1000  }
0x52: {  	[sflag:s10] =	ssyncset.done $0x0  }
0x53: {  	s7 =	rddreg [dreg:$0xc];
	[sflag:s10] =	ssyncadd.s32 $0xFFFFF000  }
0x54: {  	[tilespmem:s14], [sflag:$0x2] =	stream.indirect.gather [hbm4b:s4+s12], $0x20, s7, s12, $0xb8;
	[tilespmem:$0x8000] =	vst v63  }
0x55: {  	_ =	swait.ge [sflag:s15], $0x1000  }
0x56: {  	[sflag:s15] =	ssyncset.done $0x0  }
0x57: {  	s8 =	rddreg [dreg:$0xd];
	[sflag:s15] =	ssyncadd.s32 $0xFFFFF000  }
0x58: {  	[spmem:s2] =	stream.indirect.scatter.add.bf16 [tilespmem:s13], [sflag:$0x3], $0x20, s8, s12, $0xb8;
	[tilespmem:$0x8000] =	vst v63  }
0x59: {  	_ =	swait.ge [sflag:s10], $0x1000  }
0x5a: {  	[sflag:s10] =	ssyncset.done $0x0  }
0x5b: {  	s9 =	rddreg [dreg:$0xe];
	[sflag:s10] =	ssyncadd.s32 $0xFFFFF000  }
0x5c: {  	[tilespmem:s13], [sflag:$0x1] =	stream.indirect.gather [hbm4b:s4+s12], $0x20, s9, s12, $0xb8;
	[tilespmem:$0x8000] =	vst v63  }
0x5d: {  	_ =	swait.ge [sflag:s16], $0x1000  }
0x5e: {  	[sflag:s16] =	ssyncset.done $0x0  }
0x5f: {  	s7 =	rddreg [dreg:$0xf];
	[sflag:s16] =	ssyncadd.s32 $0xFFFFF000  }
0x60: {  	[spmem:s2] =	stream.indirect.scatter.add.bf16 [tilespmem:s14], [sflag:$0x3], $0x20, s7, s12, $0xb8;
	[tilespmem:$0x8000] =	vst v63  }
0x61: {  	_ =	swait.ge [sflag:s10], $0x1000  }
0x62: {  	[sflag:s10] =	ssyncset.done $0x0  }
0x63: {  	s8 =	rddreg [dreg:$0x10];
	[sflag:s10] =	ssyncadd.s32 $0xFFFFF000  }
0x64: {  	[tilespmem:s14], [sflag:$0x2] =	stream.indirect.gather [hbm4b:s4+s12], $0x20, s8, s12, $0xb8;
	[tilespmem:$0x8000] =	vst v63  }
0x65: {  	_ =	swait.ge [sflag:s15], $0x1000  }
0x66: {  	[sflag:s15] =	ssyncset.done $0x0  }
0x67: {  	s9 =	rddreg [dreg:$0x11];
	[sflag:s15] =	ssyncadd.s32 $0xFFFFF000  }
0x68: {  	[spmem:s2] =	stream.indirect.scatter.add.bf16 [tilespmem:s13], [sflag:$0x3], $0x20, s9, s12, $0xb8;
	[tilespmem:$0x8000] =	vst v63  }
0x69: {  	_ =	swait.ge [sflag:s10], $0x1000  }
0x6a: {  	[sflag:s10] =	ssyncset.done $0x0  }
0x6b: {  	[sflag:s10] =	ssyncadd.s32 $0xFFFFF000  }
0x6c: {  	[tilespmem:s13], [sflag:$0x1] =	stream.indirect.gather [hbm4b:s4+s12], $0x20, s17, s12, $0xb8;
	[tilespmem:$0x8000] =	vst v63  }
0x6d: {  	_ =	swait.ge [sflag:s16], $0x1000  }
0x6e: {  	[sflag:s16] =	ssyncset.done $0x0  }
0x6f: {  	[sflag:s16] =	ssyncadd.s32 $0xFFFFF000  }
0x70: {  	[spmem:s2] =	stream.indirect.scatter.add.bf16 [tilespmem:s14], [sflag:$0x3], $0x20, s18, s12, $0xb8;
	[tilespmem:$0x8000] =	vst v63  }
0x71: {  	_ =	swait.ge [sflag:s10], $0x1000  }
0x72: {  	[sflag:s10] =	ssyncset.done $0x0  }
0x73: {  	[sflag:s10] =	ssyncadd.s32 $0xFFFFF000  }
0x74: {  	[tilespmem:s14], [sflag:$0x2] =	stream.indirect.gather [hbm4b:s4+s12], $0x20, s19, s12, $0xb8;
	[tilespmem:$0x8000] =	vst v63  }
0x75: {  	_ =	swait.ge [sflag:s15], $0x1000  }
0x76: {  	[sflag:s15] =	ssyncset.done $0x0  }
0x77: {  	[sflag:s15] =	ssyncadd.s32 $0xFFFFF000  }
0x78: {  	[spmem:s2] =	stream.indirect.scatter.add.bf16 [tilespmem:s13], [sflag:$0x3], $0x20, s20, s12, $0xb8;
	[tilespmem:$0x8000] =	vst v63  }
0x79: {  	_ =	swait.ge [sflag:s10], $0x1000  }
0x7a: {  	[sflag:s10] =	ssyncset.done $0x0  }
0x7b: {  	[sflag:s10] =	ssyncadd.s32 $0xFFFFF000  }
0x7c: {  	[tilespmem:s13], [sflag:$0x1] =	stream.indirect.gather [hbm4b:s4+s12], $0x20, s21, s12, $0xb8;
	[tilespmem:$0x8000] =	vst v63  }
0x7d: {  	_ =	swait.ge [sflag:s16], $0x1000  }
0x7e: {  	[sflag:s16] =	ssyncset.done $0x0  }
0x7f: {  	[sflag:s16] =	ssyncadd.s32 $0xFFFFF000  }
0x80: {  	[spmem:s2] =	stream.indirect.scatter.add.bf16 [tilespmem:s14], [sflag:$0x3], $0x20, s22, s12, $0xb8;
	[tilespmem:$0x8000] =	vst v63  }
0x81: {  	_ =	swait.ge [sflag:s10], $0x1000  }
0x82: {  	[sflag:s10] =	ssyncset.done $0x0  }
0x83: {  	[sflag:s10] =	ssyncadd.s32 $0xFFFFF000  }
0x84: {  	[tilespmem:s14], [sflag:$0x2] =	stream.indirect.gather [hbm4b:s4+s12], $0x20, s23, s12, $0xb8;
	[tilespmem:$0x8000] =	vst v63  }
0x85: {  	_ =	swait.ge [sflag:s15], $0x1000  }
0x86: {  	[sflag:s15] =	ssyncset.done $0x0  }
0x87: {  	[sflag:s15] =	ssyncadd.s32 $0xFFFFF000  }
0x88: {  	[spmem:s2] =	stream.indirect.scatter.add.bf16 [tilespmem:s13], [sflag:$0x3], $0x20, s24, s12, $0xb8;
	[tilespmem:$0x8000] =	vst v63  }
0x89: {  	_ =	swait.ge [sflag:s10], $0x1000  }
0x8a: {  	[sflag:s10] =	ssyncset.done $0x0  }
0x8b: {  	[sflag:s10] =	ssyncadd.s32 $0xFFFFF000  }
0x8c: {  	[tilespmem:s13], [sflag:$0x1] =	stream.indirect.gather [hbm4b:s4+s12], $0x20, s25, s12, $0xb8;
	[tilespmem:$0x8000] =	vst v63  }
0x8d: {  	_ =	swait.ge [sflag:s16], $0x1000  }
0x8e: {  	[sflag:s16] =	ssyncset.done $0x0  }
0x8f: {  	[sflag:s16] =	ssyncadd.s32 $0xFFFFF000  }
0x90: {  	[spmem:s2] =	stream.indirect.scatter.add.bf16 [tilespmem:s14], [sflag:$0x3], $0x20, s26, s12, $0xb8;
	[tilespmem:$0x8000] =	vst v63  }
0x91: {  	_ =	swait.ge [sflag:s10], $0x1000  }
0x92: {  	[sflag:s10] =	ssyncset.done $0x0  }
0x93: {  	[sflag:s10] =	ssyncadd.s32 $0xFFFFF000  }
0x94: {  	[tilespmem:s14], [sflag:$0x2] =	stream.indirect.gather [hbm4b:s4+s12], $0x20, s28, s12, $0xb8;
	[tilespmem:$0x8000] =	vst v63  }
0x95: {  	_ =	swait.ge [sflag:s15], $0x1000  }
0x96: {  	[sflag:s15] =	ssyncset.done $0x0  }
0x97: {  	[sflag:s15] =	ssyncadd.s32 $0xFFFFF000  }
0x98: {  	[spmem:s2] =	stream.indirect.scatter.add.bf16 [tilespmem:s13], [sflag:$0x3], $0x20, s29, s12, $0xb8;
	[tilespmem:$0x8000] =	vst v63  }
0x99: {  	_ =	swait.ge [sflag:s10], $0x1000  }
0x9a: {  	[sflag:s10] =	ssyncset.done $0x0  }
0x9b: {  	[sflag:s10] =	ssyncadd.s32 $0xFFFFF000  }
0x9c: {  	[tilespmem:s13], [sflag:$0x1] =	stream.indirect.gather [hbm4b:s4+s12], $0x20, s30, s12, $0xb8;
	[tilespmem:$0x8000] =	vst v63  }
0x9d: {  	_ =	swait.ge [sflag:s16], $0x1000  }
0x9e: {  	[sflag:s16] =	ssyncset.done $0x0  }
0x9f: {  	[sflag:s16] =	ssyncadd.s32 $0xFFFFF000  }
0xa0: {  	[spmem:s2] =	stream.indirect.scatter.add.bf16 [tilespmem:s14], [sflag:$0x3], $0x20, s31, s12, $0xb8;
	[tilespmem:$0x8000] =	vst v63  }
0xa1: {  	_ =	swait.ge [sflag:s10], $0x1000  }
0xa2: {  	[sflag:s10] =	ssyncset.done $0x0  }
0xa3: {  	[sflag:s10] =	ssyncadd.s32 $0xFFFFF000  }
0xa4: {  	[tilespmem:s14], [sflag:$0x2] =	stream.indirect.gather [hbm4b:s4+s12], $0x20, s0, s12, $0xb8;
	[tilespmem:$0x8000] =	vst v63  }
0xa5: {  	_ =	swait.ge [sflag:s15], $0x1000  }
0xa6: {  	[sflag:s15] =	ssyncset.done $0x0  }
0xa7: {  	[sflag:s15] =	ssyncadd.s32 $0xFFFFF000  }
0xa8: {  	[spmem:s2] =	stream.indirect.scatter.add.bf16 [tilespmem:s13], [sflag:$0x3], $0x20, s1, s12, $0xb8;
	[tilespmem:$0x8000] =	vst v63  }
0xa9: {  	_ =	swait.ge [sflag:s10], $0x1000  }
0xaa: {  	[sflag:s10] =	ssyncset.done $0x0  }
0xab: {  	[sflag:s10] =	ssyncadd.s32 $0xFFFFF000  }
0xac: {  	_ =	swait.ge [sflag:s16], $0x1000  }
0xad: {  	[sflag:s16] =	ssyncset.done $0x0  }
0xae: {  	[sflag:s16] =	ssyncadd.s32 $0xFFFFF000  }
0xaf: {  	[spmem:s2] =	stream.indirect.scatter.add.bf16 [tilespmem:s14], [sflag:$0x3], $0x20, s5, s12, $0xb8;
	[tilespmem:$0x8000] =	vst v63  }
0xb0: {  	s6 =	simm.s32 $0x200;
	_ =	swait.ge [sflag:s10], $0x1000  }
0xb1: {  	s8 =	simm.s32 $0x100;
	s9 =	rddreg [dreg:$0x4];
	[sflag:s10] =	ssyncset.done $0x0  }
.LBB2_2:
0xb2: {  	[sflag:s10] =	ssyncadd.s32 $0xFFFFF000;
	s9 =	sadd.s32 s8, s9  }
0xb3: {  	[tilespmem:s3], [sflag:$0x3] =	stream.linear.gather [hbm4b:s9+s3], $0x800, $0x38;
	[tilespmem:$0x8000] =	vst v63  }
0xb4: {  	_ =	swait.ge [sflag:s10], $0x800  }
0xb5: {  	s9 =	rddreg [dreg:$0x5];
	[sflag:s10] =	ssyncset.done $0x0  }
0xb6: {  	[sflag:s10] =	ssyncadd.s32 $0xFFFFF800;
	s9 =	sadd.s32 s8, s9  }
0xb7: {  	[tilespmem:s11], [sflag:$0x3] =	stream.linear.gather [hbm4b:s9+s3], $0x800, $0x38;
	[tilespmem:$0x8000] =	vst v63  }
0xb8: {  	_ =	swait.ge [sflag:s10], $0x800  }
0xb9: {  	[sflag:s10] =	ssyncset.done $0x0  }
0xba: {  	[sflag:s10] =	ssyncadd.s32 $0xFFFFF800  }
0xbb: {  	[tilespmem:s13], [sflag:$0x1] =	stream.indirect.gather [hbm4b:s4+s12], $0x20, s3, s12, $0xb8;
	[tilespmem:$0x8000] =	vst v63  }
0xbc: {  	_ = 	snop  }
0xbd: {  	[tilespmem:s14], [sflag:$0x2] =	stream.indirect.gather [hbm4b:s4+s12], $0x20, s12, s12, $0xb8;
	[tilespmem:$0x8000] =	vst v63  }
0xbe: {  	_ =	swait.ge [sflag:s15], $0x1000  }
0xbf: {  	[sflag:s15] =	ssyncset.done $0x0  }
0xc0: {  	[sflag:s15] =	ssyncadd.s32 $0xFFFFF000  }
0xc1: {  	[spmem:s2] =	stream.indirect.scatter.add.bf16 [tilespmem:s13], [sflag:$0x3], $0x20, s11, s12, $0xb8;
	[tilespmem:$0x8000] =	vst v63  }
0xc2: {  	_ =	swait.ge [sflag:s10], $0x1000  }
0xc3: {  	[sflag:s10] =	ssyncset.done $0x0  }
0xc4: {  	s9 =	rddreg [dreg:$0x6];
	[sflag:s10] =	ssyncadd.s32 $0xFFFFF000  }
0xc5: {  	[tilespmem:s13], [sflag:$0x1] =	stream.indirect.gather [hbm4b:s4+s12], $0x20, s9, s12, $0xb8;
	[tilespmem:$0x8000] =	vst v63  }
0xc6: {  	_ =	swait.ge [sflag:s16], $0x1000  }
0xc7: {  	[sflag:s16] =	ssyncset.done $0x0  }
0xc8: {  	s9 =	rddreg [dreg:$0x7];
	[sflag:s16] =	ssyncadd.s32 $0xFFFFF000  }
0xc9: {  	[spmem:s2] =	stream.indirect.scatter.add.bf16 [tilespmem:s14], [sflag:$0x3], $0x20, s9, s12, $0xb8;
	[tilespmem:$0x8000] =	vst v63  }
0xca: {  	_ =	swait.ge [sflag:s10], $0x1000  }
0xcb: {  	[sflag:s10] =	ssyncset.done $0x0  }
0xcc: {  	s9 =	rddreg [dreg:$0x8];
	[sflag:s10] =	ssyncadd.s32 $0xFFFFF000  }
0xcd: {  	[tilespmem:s14], [sflag:$0x2] =	stream.indirect.gather [hbm4b:s4+s12], $0x20, s9, s12, $0xb8;
	[tilespmem:$0x8000] =	vst v63  }
0xce: {  	_ =	swait.ge [sflag:s15], $0x1000  }
0xcf: {  	[sflag:s15] =	ssyncset.done $0x0  }
0xd0: {  	s9 =	rddreg [dreg:$0x9];
	[sflag:s15] =	ssyncadd.s32 $0xFFFFF000  }
0xd1: {  	[spmem:s2] =	stream.indirect.scatter.add.bf16 [tilespmem:s13], [sflag:$0x3], $0x20, s9, s12, $0xb8;
	[tilespmem:$0x8000] =	vst v63  }
0xd2: {  	_ =	swait.ge [sflag:s10], $0x1000  }
0xd3: {  	[sflag:s10] =	ssyncset.done $0x0  }
0xd4: {  	s9 =	rddreg [dreg:$0xa];
	[sflag:s10] =	ssyncadd.s32 $0xFFFFF000  }
0xd5: {  	[tilespmem:s13], [sflag:$0x1] =	stream.indirect.gather [hbm4b:s4+s12], $0x20, s9, s12, $0xb8;
	[tilespmem:$0x8000] =	vst v63  }
0xd6: {  	_ =	swait.ge [sflag:s16], $0x1000  }
0xd7: {  	[sflag:s16] =	ssyncset.done $0x0  }
0xd8: {  	s9 =	rddreg [dreg:$0xb];
	[sflag:s16] =	ssyncadd.s32 $0xFFFFF000  }
0xd9: {  	[spmem:s2] =	stream.indirect.scatter.add.bf16 [tilespmem:s14], [sflag:$0x3], $0x20, s9, s12, $0xb8;
	[tilespmem:$0x8000] =	vst v63  }
0xda: {  	_ =	swait.ge [sflag:s10], $0x1000  }
0xdb: {  	[sflag:s10] =	ssyncset.done $0x0  }
0xdc: {  	s9 =	rddreg [dreg:$0xc];
	[sflag:s10] =	ssyncadd.s32 $0xFFFFF000  }
0xdd: {  	[tilespmem:s14], [sflag:$0x2] =	stream.indirect.gather [hbm4b:s4+s12], $0x20, s9, s12, $0xb8;
	[tilespmem:$0x8000] =	vst v63  }
0xde: {  	_ =	swait.ge [sflag:s15], $0x1000  }
0xdf: {  	[sflag:s15] =	ssyncset.done $0x0  }
0xe0: {  	s9 =	rddreg [dreg:$0xd];
	[sflag:s15] =	ssyncadd.s32 $0xFFFFF000  }
0xe1: {  	[spmem:s2] =	stream.indirect.scatter.add.bf16 [tilespmem:s13], [sflag:$0x3], $0x20, s9, s12, $0xb8;
	[tilespmem:$0x8000] =	vst v63  }
0xe2: {  	_ =	swait.ge [sflag:s10], $0x1000  }
0xe3: {  	[sflag:s10] =	ssyncset.done $0x0  }
0xe4: {  	s9 =	rddreg [dreg:$0xe];
	[sflag:s10] =	ssyncadd.s32 $0xFFFFF000  }
0xe5: {  	[tilespmem:s13], [sflag:$0x1] =	stream.indirect.gather [hbm4b:s4+s12], $0x20, s9, s12, $0xb8;
	[tilespmem:$0x8000] =	vst v63  }
0xe6: {  	_ =	swait.ge [sflag:s16], $0x1000  }
0xe7: {  	[sflag:s16] =	ssyncset.done $0x0  }
0xe8: {  	s9 =	rddreg [dreg:$0xf];
	[sflag:s16] =	ssyncadd.s32 $0xFFFFF000  }
0xe9: {  	[spmem:s2] =	stream.indirect.scatter.add.bf16 [tilespmem:s14], [sflag:$0x3], $0x20, s9, s12, $0xb8;
	[tilespmem:$0x8000] =	vst v63  }
0xea: {  	_ =	swait.ge [sflag:s10], $0x1000  }
0xeb: {  	[sflag:s10] =	ssyncset.done $0x0  }
0xec: {  	s9 =	rddreg [dreg:$0x10];
	[sflag:s10] =	ssyncadd.s32 $0xFFFFF000  }
0xed: {  	[tilespmem:s14], [sflag:$0x2] =	stream.indirect.gather [hbm4b:s4+s12], $0x20, s9, s12, $0xb8;
	[tilespmem:$0x8000] =	vst v63  }
0xee: {  	_ =	swait.ge [sflag:s15], $0x1000  }
0xef: {  	[sflag:s15] =	ssyncset.done $0x0  }
0xf0: {  	s9 =	rddreg [dreg:$0x11];
	[sflag:s15] =	ssyncadd.s32 $0xFFFFF000  }
0xf1: {  	[spmem:s2] =	stream.indirect.scatter.add.bf16 [tilespmem:s13], [sflag:$0x3], $0x20, s9, s12, $0xb8;
	[tilespmem:$0x8000] =	vst v63  }
0xf2: {  	_ =	swait.ge [sflag:s10], $0x1000  }
0xf3: {  	[sflag:s10] =	ssyncset.done $0x0  }
0xf4: {  	[sflag:s10] =	ssyncadd.s32 $0xFFFFF000  }
0xf5: {  	[tilespmem:s13], [sflag:$0x1] =	stream.indirect.gather [hbm4b:s4+s12], $0x20, s17, s12, $0xb8;
	[tilespmem:$0x8000] =	vst v63  }
0xf6: {  	_ =	swait.ge [sflag:s16], $0x1000  }
0xf7: {  	[sflag:s16] =	ssyncset.done $0x0  }
0xf8: {  	[sflag:s16] =	ssyncadd.s32 $0xFFFFF000  }
0xf9: {  	[spmem:s2] =	stream.indirect.scatter.add.bf16 [tilespmem:s14], [sflag:$0x3], $0x20, s18, s12, $0xb8;
	[tilespmem:$0x8000] =	vst v63  }
0xfa: {  	_ =	swait.ge [sflag:s10], $0x1000  }
0xfb: {  	[sflag:s10] =	ssyncset.done $0x0  }
0xfc: {  	[sflag:s10] =	ssyncadd.s32 $0xFFFFF000  }
0xfd: {  	[tilespmem:s14], [sflag:$0x2] =	stream.indirect.gather [hbm4b:s4+s12], $0x20, s19, s12, $0xb8;
	[tilespmem:$0x8000] =	vst v63  }
0xfe: {  	_ =	swait.ge [sflag:s15], $0x1000  }
0xff: {  	[sflag:s15] =	ssyncset.done $0x0  }
0x100: {  	[sflag:s15] =	ssyncadd.s32 $0xFFFFF000  }
0x101: {  	[spmem:s2] =	stream.indirect.scatter.add.bf16 [tilespmem:s13], [sflag:$0x3], $0x20, s20, s12, $0xb8;
	[tilespmem:$0x8000] =	vst v63  }
0x102: {  	_ =	swait.ge [sflag:s10], $0x1000  }
0x103: {  	[sflag:s10] =	ssyncset.done $0x0  }
0x104: {  	[sflag:s10] =	ssyncadd.s32 $0xFFFFF000  }
0x105: {  	[tilespmem:s13], [sflag:$0x1] =	stream.indirect.gather [hbm4b:s4+s12], $0x20, s21, s12, $0xb8;
	[tilespmem:$0x8000] =	vst v63  }
0x106: {  	_ =	swait.ge [sflag:s16], $0x1000  }
0x107: {  	[sflag:s16] =	ssyncset.done $0x0  }
0x108: {  	[sflag:s16] =	ssyncadd.s32 $0xFFFFF000  }
0x109: {  	[spmem:s2] =	stream.indirect.scatter.add.bf16 [tilespmem:s14], [sflag:$0x3], $0x20, s22, s12, $0xb8;
	[tilespmem:$0x8000] =	vst v63  }
0x10a: {  	_ =	swait.ge [sflag:s10], $0x1000  }
0x10b: {  	[sflag:s10] =	ssyncset.done $0x0  }
0x10c: {  	[sflag:s10] =	ssyncadd.s32 $0xFFFFF000  }
0x10d: {  	[tilespmem:s14], [sflag:$0x2] =	stream.indirect.gather [hbm4b:s4+s12], $0x20, s23, s12, $0xb8;
	[tilespmem:$0x8000] =	vst v63  }
0x10e: {  	_ =	swait.ge [sflag:s15], $0x1000  }
0x10f: {  	[sflag:s15] =	ssyncset.done $0x0  }
0x110: {  	[sflag:s15] =	ssyncadd.s32 $0xFFFFF000  }
0x111: {  	[spmem:s2] =	stream.indirect.scatter.add.bf16 [tilespmem:s13], [sflag:$0x3], $0x20, s24, s12, $0xb8;
	[tilespmem:$0x8000] =	vst v63  }
0x112: {  	_ =	swait.ge [sflag:s10], $0x1000  }
0x113: {  	[sflag:s10] =	ssyncset.done $0x0  }
0x114: {  	[sflag:s10] =	ssyncadd.s32 $0xFFFFF000  }
0x115: {  	[tilespmem:s13], [sflag:$0x1] =	stream.indirect.gather [hbm4b:s4+s12], $0x20, s25, s12, $0xb8;
	[tilespmem:$0x8000] =	vst v63  }
0x116: {  	_ =	swait.ge [sflag:s16], $0x1000  }
0x117: {  	[sflag:s16] =	ssyncset.done $0x0  }
0x118: {  	[sflag:s16] =	ssyncadd.s32 $0xFFFFF000  }
0x119: {  	[spmem:s2] =	stream.indirect.scatter.add.bf16 [tilespmem:s14], [sflag:$0x3], $0x20, s26, s12, $0xb8;
	[tilespmem:$0x8000] =	vst v63  }
0x11a: {  	_ =	swait.ge [sflag:s10], $0x1000  }
0x11b: {  	[sflag:s10] =	ssyncset.done $0x0  }
0x11c: {  	[sflag:s10] =	ssyncadd.s32 $0xFFFFF000  }
0x11d: {  	[tilespmem:s14], [sflag:$0x2] =	stream.indirect.gather [hbm4b:s4+s12], $0x20, s28, s12, $0xb8;
	[tilespmem:$0x8000] =	vst v63  }
0x11e: {  	_ =	swait.ge [sflag:s15], $0x1000  }
0x11f: {  	[sflag:s15] =	ssyncset.done $0x0  }
0x120: {  	[sflag:s15] =	ssyncadd.s32 $0xFFFFF000  }
0x121: {  	[spmem:s2] =	stream.indirect.scatter.add.bf16 [tilespmem:s13], [sflag:$0x3], $0x20, s29, s12, $0xb8;
	[tilespmem:$0x8000] =	vst v63  }
0x122: {  	_ =	swait.ge [sflag:s10], $0x1000  }
0x123: {  	[sflag:s10] =	ssyncset.done $0x0  }
0x124: {  	[sflag:s10] =	ssyncadd.s32 $0xFFFFF000  }
0x125: {  	[tilespmem:s13], [sflag:$0x1] =	stream.indirect.gather [hbm4b:s4+s12], $0x20, s30, s12, $0xb8;
	[tilespmem:$0x8000] =	vst v63  }
0x126: {  	_ =	swait.ge [sflag:s16], $0x1000  }
0x127: {  	[sflag:s16] =	ssyncset.done $0x0  }
0x128: {  	[sflag:s16] =	ssyncadd.s32 $0xFFFFF000  }
0x129: {  	[spmem:s2] =	stream.indirect.scatter.add.bf16 [tilespmem:s14], [sflag:$0x3], $0x20, s31, s12, $0xb8;
	[tilespmem:$0x8000] =	vst v63  }
0x12a: {  	_ =	swait.ge [sflag:s10], $0x1000  }
0x12b: {  	[sflag:s10] =	ssyncset.done $0x0  }
0x12c: {  	[sflag:s10] =	ssyncadd.s32 $0xFFFFF000  }
0x12d: {  	[tilespmem:s14], [sflag:$0x2] =	stream.indirect.gather [hbm4b:s4+s12], $0x20, s0, s12, $0xb8;
	[tilespmem:$0x8000] =	vst v63  }
0x12e: {  	_ =	swait.ge [sflag:s15], $0x1000  }
0x12f: {  	[sflag:s15] =	ssyncset.done $0x0  }
0x130: {  	[sflag:s15] =	ssyncadd.s32 $0xFFFFF000  }
0x131: {  	[spmem:s2] =	stream.indirect.scatter.add.bf16 [tilespmem:s13], [sflag:$0x3], $0x20, s1, s12, $0xb8;
	[tilespmem:$0x8000] =	vst v63  }
0x132: {  	_ =	swait.ge [sflag:s10], $0x1000  }
0x133: {  	[sflag:s10] =	ssyncset.done $0x0  }
0x134: {  	[sflag:s10] =	ssyncadd.s32 $0xFFFFF000  }
0x135: {  	p0 =	sne.s32 s6, $0x400;
	_ =	swait.ge [sflag:s16], $0x1000  }
.Ltmp0:
0x136: {  	[sflag:s16] =	ssyncset.done $0x0;
	(pc) =	sbr.rel @p0 .LBB2_2-.Ltmp0, $4  }
0x137: {  	[sflag:s16] =	ssyncadd.s32 $0xFFFFF000  }
0x138: {  	[spmem:s2] =	stream.indirect.scatter.add.bf16 [tilespmem:s14], [sflag:$0x3], $0x20, s5, s12, $0xb8;
	[tilespmem:$0x8000] =	vst v63  }
0x139: {  	s7 =	smov.u32 s6;
	s6 =	sadd.s32 $0x100, s6;
	_ =	swait.ge [sflag:s10], $0x1000  }
0x13a: {  	s8 =	smov.u32 s7;
	s9 =	rddreg [dreg:$0x4];
	[sflag:s10] =	ssyncset.done $0x0  }
0x13b: {  	[sflag:s10] =	ssyncadd.s32 $0xFFFFF000;
	s6 =	sadd.s32 s8, s9  }
0x13c: {  	[tilespmem:s3], [sflag:$0x3] =	stream.linear.gather [hbm4b:s6+s3], $0x800, $0x38;
	[tilespmem:$0x8000] =	vst v63  }
0x13d: {  	_ =	swait.ge [sflag:s10], $0x800  }
0x13e: {  	s7 =	rddreg [dreg:$0x5];
	[sflag:s10] =	ssyncset.done $0x0  }
0x13f: {  	s6 =	sadd.s32 s8, s7;
	[sflag:s10] =	ssyncadd.s32 $0xFFFFF800  }
0x140: {  	[tilespmem:s11], [sflag:$0x3] =	stream.linear.gather [hbm4b:s6+s3], $0x800, $0x38;
	[tilespmem:$0x8000] =	vst v63  }
0x141: {  	_ =	swait.ge [sflag:s10], $0x800  }
0x142: {  	[sflag:s10] =	ssyncset.done $0x0  }
0x143: {  	[sflag:s10] =	ssyncadd.s32 $0xFFFFF800  }
0x144: {  	[tilespmem:s13], [sflag:$0x1] =	stream.indirect.gather [hbm4b:s4+s12], $0x20, s3, s12, $0xb8;
	[tilespmem:$0x8000] =	vst v63  }
0x145: {  	_ = 	snop  }
0x146: {  	[tilespmem:s14], [sflag:$0x2] =	stream.indirect.gather [hbm4b:s4+s12], $0x20, s12, s12, $0xb8;
	[tilespmem:$0x8000] =	vst v63  }
0x147: {  	_ =	swait.ge [sflag:s15], $0x1000  }
0x148: {  	[sflag:s15] =	ssyncset.done $0x0  }
0x149: {  	[sflag:s15] =	ssyncadd.s32 $0xFFFFF000  }
0x14a: {  	[spmem:s2] =	stream.indirect.scatter.add.bf16 [tilespmem:s13], [sflag:$0x3], $0x20, s11, s12, $0xb8;
	[tilespmem:$0x8000] =	vst v63  }
0x14b: {  	_ =	swait.ge [sflag:s10], $0x1000  }
0x14c: {  	[sflag:s10] =	ssyncset.done $0x0  }
0x14d: {  	s9 =	rddreg [dreg:$0x6];
	[sflag:s10] =	ssyncadd.s32 $0xFFFFF000  }
0x14e: {  	[tilespmem:s13], [sflag:$0x1] =	stream.indirect.gather [hbm4b:s4+s12], $0x20, s9, s12, $0xb8;
	[tilespmem:$0x8000] =	vst v63  }
0x14f: {  	_ =	swait.ge [sflag:s16], $0x1000  }
0x150: {  	[sflag:s16] =	ssyncset.done $0x0  }
0x151: {  	s7 =	rddreg [dreg:$0x7];
	[sflag:s16] =	ssyncadd.s32 $0xFFFFF000  }
0x152: {  	[spmem:s2] =	stream.indirect.scatter.add.bf16 [tilespmem:s14], [sflag:$0x3], $0x20, s7, s12, $0xb8;
	[tilespmem:$0x8000] =	vst v63  }
0x153: {  	_ =	swait.ge [sflag:s10], $0x1000  }
0x154: {  	[sflag:s10] =	ssyncset.done $0x0  }
0x155: {  	s8 =	rddreg [dreg:$0x8];
	[sflag:s10] =	ssyncadd.s32 $0xFFFFF000  }
0x156: {  	[tilespmem:s14], [sflag:$0x2] =	stream.indirect.gather [hbm4b:s4+s12], $0x20, s8, s12, $0xb8;
	[tilespmem:$0x8000] =	vst v63  }
0x157: {  	_ =	swait.ge [sflag:s15], $0x1000  }
0x158: {  	[sflag:s15] =	ssyncset.done $0x0  }
0x159: {  	s9 =	rddreg [dreg:$0x9];
	[sflag:s15] =	ssyncadd.s32 $0xFFFFF000  }
0x15a: {  	[spmem:s2] =	stream.indirect.scatter.add.bf16 [tilespmem:s13], [sflag:$0x3], $0x20, s9, s12, $0xb8;
	[tilespmem:$0x8000] =	vst v63  }
0x15b: {  	_ =	swait.ge [sflag:s10], $0x1000  }
0x15c: {  	[sflag:s10] =	ssyncset.done $0x0  }
0x15d: {  	s7 =	rddreg [dreg:$0xa];
	[sflag:s10] =	ssyncadd.s32 $0xFFFFF000  }
0x15e: {  	[tilespmem:s13], [sflag:$0x1] =	stream.indirect.gather [hbm4b:s4+s12], $0x20, s7, s12, $0xb8;
	[tilespmem:$0x8000] =	vst v63  }
0x15f: {  	_ =	swait.ge [sflag:s16], $0x1000  }
0x160: {  	[sflag:s16] =	ssyncset.done $0x0  }
0x161: {  	s8 =	rddreg [dreg:$0xb];
	[sflag:s16] =	ssyncadd.s32 $0xFFFFF000  }
0x162: {  	[spmem:s2] =	stream.indirect.scatter.add.bf16 [tilespmem:s14], [sflag:$0x3], $0x20, s8, s12, $0xb8;
	[tilespmem:$0x8000] =	vst v63  }
0x163: {  	_ =	swait.ge [sflag:s10], $0x1000  }
0x164: {  	[sflag:s10] =	ssyncset.done $0x0  }
0x165: {  	s9 =	rddreg [dreg:$0xc];
	[sflag:s10] =	ssyncadd.s32 $0xFFFFF000  }
0x166: {  	[tilespmem:s14], [sflag:$0x2] =	stream.indirect.gather [hbm4b:s4+s12], $0x20, s9, s12, $0xb8;
	[tilespmem:$0x8000] =	vst v63  }
0x167: {  	_ =	swait.ge [sflag:s15], $0x1000  }
0x168: {  	[sflag:s15] =	ssyncset.done $0x0  }
0x169: {  	s7 =	rddreg [dreg:$0xd];
	[sflag:s15] =	ssyncadd.s32 $0xFFFFF000  }
0x16a: {  	[spmem:s2] =	stream.indirect.scatter.add.bf16 [tilespmem:s13], [sflag:$0x3], $0x20, s7, s12, $0xb8;
	[tilespmem:$0x8000] =	vst v63  }
0x16b: {  	_ =	swait.ge [sflag:s10], $0x1000  }
0x16c: {  	[sflag:s10] =	ssyncset.done $0x0  }
0x16d: {  	s8 =	rddreg [dreg:$0xe];
	[sflag:s10] =	ssyncadd.s32 $0xFFFFF000  }
0x16e: {  	[tilespmem:s13], [sflag:$0x1] =	stream.indirect.gather [hbm4b:s4+s12], $0x20, s8, s12, $0xb8;
	[tilespmem:$0x8000] =	vst v63  }
0x16f: {  	_ =	swait.ge [sflag:s16], $0x1000  }
0x170: {  	[sflag:s16] =	ssyncset.done $0x0  }
0x171: {  	s9 =	rddreg [dreg:$0xf];
	[sflag:s16] =	ssyncadd.s32 $0xFFFFF000  }
0x172: {  	[spmem:s2] =	stream.indirect.scatter.add.bf16 [tilespmem:s14], [sflag:$0x3], $0x20, s9, s12, $0xb8;
	[tilespmem:$0x8000] =	vst v63  }
0x173: {  	_ =	swait.ge [sflag:s10], $0x1000  }
0x174: {  	[sflag:s10] =	ssyncset.done $0x0  }
0x175: {  	s7 =	rddreg [dreg:$0x10];
	[sflag:s10] =	ssyncadd.s32 $0xFFFFF000  }
0x176: {  	[tilespmem:s14], [sflag:$0x2] =	stream.indirect.gather [hbm4b:s4+s12], $0x20, s7, s12, $0xb8;
	[tilespmem:$0x8000] =	vst v63  }
0x177: {  	_ =	swait.ge [sflag:s15], $0x1000  }
0x178: {  	[sflag:s15] =	ssyncset.done $0x0  }
0x179: {  	s8 =	rddreg [dreg:$0x11];
	[sflag:s15] =	ssyncadd.s32 $0xFFFFF000  }
0x17a: {  	[spmem:s2] =	stream.indirect.scatter.add.bf16 [tilespmem:s13], [sflag:$0x3], $0x20, s8, s12, $0xb8;
	[tilespmem:$0x8000] =	vst v63  }
0x17b: {  	_ =	swait.ge [sflag:s10], $0x1000  }
0x17c: {  	[sflag:s10] =	ssyncset.done $0x0  }
0x17d: {  	[sflag:s10] =	ssyncadd.s32 $0xFFFFF000  }
0x17e: {  	[tilespmem:s13], [sflag:$0x1] =	stream.indirect.gather [hbm4b:s4+s12], $0x20, s17, s12, $0xb8;
	[tilespmem:$0x8000] =	vst v63  }
0x17f: {  	_ =	swait.ge [sflag:s16], $0x1000  }
0x180: {  	[sflag:s16] =	ssyncset.done $0x0  }
0x181: {  	[sflag:s16] =	ssyncadd.s32 $0xFFFFF000  }
0x182: {  	[spmem:s2] =	stream.indirect.scatter.add.bf16 [tilespmem:s14], [sflag:$0x3], $0x20, s18, s12, $0xb8;
	[tilespmem:$0x8000] =	vst v63  }
0x183: {  	_ =	swait.ge [sflag:s10], $0x1000  }
0x184: {  	[sflag:s10] =	ssyncset.done $0x0  }
0x185: {  	[sflag:s10] =	ssyncadd.s32 $0xFFFFF000  }
0x186: {  	[tilespmem:s14], [sflag:$0x2] =	stream.indirect.gather [hbm4b:s4+s12], $0x20, s19, s12, $0xb8;
	[tilespmem:$0x8000] =	vst v63  }
0x187: {  	_ =	swait.ge [sflag:s15], $0x1000  }
0x188: {  	[sflag:s15] =	ssyncset.done $0x0  }
0x189: {  	[sflag:s15] =	ssyncadd.s32 $0xFFFFF000  }
0x18a: {  	[spmem:s2] =	stream.indirect.scatter.add.bf16 [tilespmem:s13], [sflag:$0x3], $0x20, s20, s12, $0xb8;
	[tilespmem:$0x8000] =	vst v63  }
0x18b: {  	_ =	swait.ge [sflag:s10], $0x1000  }
0x18c: {  	[sflag:s10] =	ssyncset.done $0x0  }
0x18d: {  	[sflag:s10] =	ssyncadd.s32 $0xFFFFF000  }
0x18e: {  	[tilespmem:s13], [sflag:$0x1] =	stream.indirect.gather [hbm4b:s4+s12], $0x20, s21, s12, $0xb8;
	[tilespmem:$0x8000] =	vst v63  }
0x18f: {  	_ =	swait.ge [sflag:s16], $0x1000  }
0x190: {  	[sflag:s16] =	ssyncset.done $0x0  }
0x191: {  	[sflag:s16] =	ssyncadd.s32 $0xFFFFF000  }
0x192: {  	[spmem:s2] =	stream.indirect.scatter.add.bf16 [tilespmem:s14], [sflag:$0x3], $0x20, s22, s12, $0xb8;
	[tilespmem:$0x8000] =	vst v63  }
0x193: {  	_ =	swait.ge [sflag:s10], $0x1000  }
0x194: {  	[sflag:s10] =	ssyncset.done $0x0  }
0x195: {  	[sflag:s10] =	ssyncadd.s32 $0xFFFFF000  }
0x196: {  	[tilespmem:s14], [sflag:$0x2] =	stream.indirect.gather [hbm4b:s4+s12], $0x20, s23, s12, $0xb8;
	[tilespmem:$0x8000] =	vst v63  }
0x197: {  	_ =	swait.ge [sflag:s15], $0x1000  }
0x198: {  	[sflag:s15] =	ssyncset.done $0x0  }
0x199: {  	[sflag:s15] =	ssyncadd.s32 $0xFFFFF000  }
0x19a: {  	[spmem:s2] =	stream.indirect.scatter.add.bf16 [tilespmem:s13], [sflag:$0x3], $0x20, s24, s12, $0xb8;
	[tilespmem:$0x8000] =	vst v63  }
0x19b: {  	_ =	swait.ge [sflag:s10], $0x1000  }
0x19c: {  	[sflag:s10] =	ssyncset.done $0x0  }
0x19d: {  	[sflag:s10] =	ssyncadd.s32 $0xFFFFF000  }
0x19e: {  	[tilespmem:s13], [sflag:$0x1] =	stream.indirect.gather [hbm4b:s4+s12], $0x20, s25, s12, $0xb8;
	[tilespmem:$0x8000] =	vst v63  }
0x19f: {  	_ =	swait.ge [sflag:s16], $0x1000  }
0x1a0: {  	[sflag:s16] =	ssyncset.done $0x0  }
0x1a1: {  	[sflag:s16] =	ssyncadd.s32 $0xFFFFF000  }
0x1a2: {  	[spmem:s2] =	stream.indirect.scatter.add.bf16 [tilespmem:s14], [sflag:$0x3], $0x20, s26, s12, $0xb8;
	[tilespmem:$0x8000] =	vst v63  }
0x1a3: {  	_ =	swait.ge [sflag:s10], $0x1000  }
0x1a4: {  	[sflag:s10] =	ssyncset.done $0x0  }
0x1a5: {  	[sflag:s10] =	ssyncadd.s32 $0xFFFFF000  }
0x1a6: {  	[tilespmem:s14], [sflag:$0x2] =	stream.indirect.gather [hbm4b:s4+s12], $0x20, s28, s12, $0xb8;
	[tilespmem:$0x8000] =	vst v63  }
0x1a7: {  	_ =	swait.ge [sflag:s15], $0x1000  }
0x1a8: {  	[sflag:s15] =	ssyncset.done $0x0  }
0x1a9: {  	[sflag:s15] =	ssyncadd.s32 $0xFFFFF000  }
0x1aa: {  	[spmem:s2] =	stream.indirect.scatter.add.bf16 [tilespmem:s13], [sflag:$0x3], $0x20, s29, s12, $0xb8;
	[tilespmem:$0x8000] =	vst v63  }
0x1ab: {  	_ =	swait.ge [sflag:s10], $0x1000  }
0x1ac: {  	[sflag:s10] =	ssyncset.done $0x0  }
0x1ad: {  	[sflag:s10] =	ssyncadd.s32 $0xFFFFF000  }
0x1ae: {  	[tilespmem:s13], [sflag:$0x1] =	stream.indirect.gather [hbm4b:s4+s12], $0x20, s30, s12, $0xb8;
	[tilespmem:$0x8000] =	vst v63  }
0x1af: {  	_ =	swait.ge [sflag:s16], $0x1000  }
0x1b0: {  	[sflag:s16] =	ssyncset.done $0x0  }
0x1b1: {  	[sflag:s16] =	ssyncadd.s32 $0xFFFFF000  }
0x1b2: {  	[spmem:s2] =	stream.indirect.scatter.add.bf16 [tilespmem:s14], [sflag:$0x3], $0x20, s31, s12, $0xb8;
	[tilespmem:$0x8000] =	vst v63  }
0x1b3: {  	_ =	swait.ge [sflag:s10], $0x1000  }
0x1b4: {  	[sflag:s10] =	ssyncset.done $0x0  }
0x1b5: {  	[sflag:s10] =	ssyncadd.s32 $0xFFFFF000  }
0x1b6: {  	[tilespmem:s14], [sflag:$0x2] =	stream.indirect.gather [hbm4b:s4+s12], $0x20, s0, s12, $0xb8;
	[tilespmem:$0x8000] =	vst v63  }
0x1b7: {  	_ =	swait.ge [sflag:s15], $0x1000  }
0x1b8: {  	[sflag:s15] =	ssyncset.done $0x0  }
0x1b9: {  	[sflag:s15] =	ssyncadd.s32 $0xFFFFF000  }
0x1ba: {  	[spmem:s2] =	stream.indirect.scatter.add.bf16 [tilespmem:s13], [sflag:$0x3], $0x20, s1, s12, $0xb8;
	[tilespmem:$0x8000] =	vst v63  }
0x1bb: {  	_ =	swait.ge [sflag:s10], $0x1000  }
0x1bc: {  	[sflag:s10] =	ssyncset.done $0x0  }
0x1bd: {  	[sflag:s10] =	ssyncadd.s32 $0xFFFFF000  }
0x1be: {  	_ =	swait.ge [sflag:s16], $0x1000  }
0x1bf: {  	[sflag:s16] =	ssyncset.done $0x0  }
0x1c0: {  	[sflag:s16] =	ssyncadd.s32 $0xFFFFF000  }
0x1c1: {  	[spmem:s2] =	stream.indirect.scatter.add.bf16 [tilespmem:s14], [sflag:$0x3], $0x20, s5, s12, $0xb8;
	[tilespmem:$0x8000] =	vst v63  }
0x1c2: {  	_ =	swait.ge [sflag:s10], $0x1000  }
0x1c3: {  	[sflag:s10] =	ssyncset.done $0x0  }
0x1c4: {  	[sflag:s10] =	ssyncadd.s32 $0xFFFFF000  }
0x1c5: {  	[bflag:$0x0] =	sbarrier.arrive $0xFFFF  }
0x1c6: {  	s7 =	rddreg [dreg:$0x13]  }
0x1c7: {  	s9 =	rddreg [dreg:$0x14]  }
0x1c8: {  	s8 =	rddreg [dreg:$0x16]  }
0x1c9: {  	[hbm:s9], [sflag:s7] =	dma.local [spmem:s8], $0xA00  }
0x1ca: {  	_ =	swait.ge [sflag:s10], $0xA00  }
0x1cb: {  	s6 =	rddreg [dreg:$0x17]  }
0x1cc: {  	s9 =	sadd.s32 $0x1, s6;
	s6 =	rddreg [dreg:$0x15]  }
0x1cd: {  	p0 =	sne.s32 s9, s6  }
.Ltmp1:
0x1ce: {  	_ = 	snop;
	(pc) =	sbr.rel @p0 .LBB2_1-.Ltmp1, $3  }
0x1cf: {  	_ =	sdelay $0x1  }
0x1d0: {  	[sflag:s10] =	ssyncset.done $0x0  }
0x1d1: {  	[sflag:s10] =	ssyncadd.s32 $0xFFFFF600  }
0x1d2: {  	_ =	sfence.sel $0x180000  }
0x1d3: {  	[bflag:$0x0] =	sbarrier.arrive $0xFFFF  }
0x1d4: {  	_ =	strace $0x9000004D  }
0x1d5: {  	s0 =	stileid.u32;
	[bflag:$0x2] =	sbarrier.arrive $0xFFFF  }
0x1d6: {  	p0 =	sne.s32 s0, $0x0;
	s0 =	rddreg [dreg:$0x3]  }
0x1d7: {  	s0 =	sadd.s32 @!p0 $0x100000, s0  }
0x1d8: {  	[sflag:s0] =	ssyncadd.tile.s32 @!p0 $0x1;
	_ =	shalt  }
.Lfunc_end2:
_tile_overlayer_lowered:
.L_overlay_start_2:
0x1d9: {  	(tag) =	ssettag $0x2  }
0x1da: {  	s0 =	rddreg [dreg:$0x0];
	s2 =	stileid.u32  }
0x1db: {  	s1 =	rddreg [dreg:$0x1];
	p0 =	sne.s32 s2, $0x0  }
0x1dc: {  	s3 =	rddreg [dreg:$0x2];
	[bflag:$0x3] =	sbarrier.arrive $0xFFFF;
	s2 =	simm.s32 @!p0 $0x1C03  }
0x1dd: {  	[timem:s3], [sflag:s2] =	dma.local @!p0 [hbm:s0], s1  }
0x1de: {  	s0 =	simm.s32 @!p0 $0x3  }
0x1df: {  	_ =	swait.ge @!p0 [sflag:s0], s1  }
0x1e0: {  	s1 =	ssub.s32 @!p0 $0x0, s1;
	[sflag:s0] =	ssyncset.done @!p0 $0x0  }
0x1e1: {  	[sflag:s0] =	ssyncadd.s32 @!p0 s1  }
0x1e2: {  	[bflag:$0x3] =	sbarrier.arrive $0xFFFF  }
0x1e3: {  	_ =	shalt  }

// kernel: kernel.8.cloned.1.call-start
scs
__scs_entry_jumppad:
0x0: {  	(pc) =	sbr.rel $0x88, $3  }
0x1: {  	(tag) =	ssettag $0x0;
	lr =	simm.s32 $0x1  }
0x2: {  	[smem:$0x3F9B] =	sst lr;
	_ =	strace $0xD0000000  }
0x3: {  	_ = 	snop  }
0x4: {  	_ = 	snop  }
0x5: {  	_ = 	snop  }
0x6: {  	_ = 	snop  }
0x7: {  	_ = 	snop  }
__scs_overlays_trampoline_lowered:
0x8: {  	[smem:$0x3FAA] =	sst s0  }
0x9: {  	[smem:$0x3FAB] =	sst s1  }
0xa: {  	[smem:$0x3FAC] =	sst s2  }
0xb: {  	[smem:$0x3FAD] =	sst s3  }
0xc: {  	[smem:$0x3FAE] =	sst s4  }
0xd: {  	[smem:$0x3FAF] =	sst s5  }
0xe: {  	[smem:$0x3FB0] =	sst s6  }
0xf: {  	[smem:$0x3FB1] =	sst s7  }
0x10: {  	[smem:$0x3FB2] =	sst s8  }
0x11: {  	[smem:$0x3FB3] =	sst s9;
	s0 =	simm.s32 @!p0 $0x0  }
0x12: {  	s1 =	sld [smem:$0x3F99];
	s0 =	simm.s32 @p0 $0x1  }
0x13: {  	[smem:$0x3FB4] =	sst s0;
	s0 =	simm.s32 @!p1 $0x0  }
0x14: {  	s2 =	sld [smem:$0x3F98];
	s0 =	simm.s32 @p1 $0x1  }
0x15: {  	[smem:$0x3FB5] =	sst s0;
	s0 =	simm.s32 @!p2 $0x0  }
0x16: {  	s3 =	sld [smem:$0x3FDB];
	s0 =	simm.s32 @p2 $0x1  }
0x17: {  	s4 =	simm.s32 $0x1BF5;
	[smem:$0x3FB7] =	sst s0  }
0x18: {  	s0 =	sld [smem:$0x3F9A];
	_ =	swait.ge [sflag:s4], $0x0  }
0x19: {  	s7 =	sld [smem:$0x3F9B]  }
0x1a: {  	s8 =	sadd.s32 $0xFFFFE003, lr  }
0x1b: {  	s9 =	sadd.s32 $0xFFFFFEF7, lr;
	s5 =	simm.s32 $0xFFFFFFFF;
	p2 =	slt.u32 s8, $0xFFFFF086  }
0x1c: {  	p1 =	slt.u32 s9, $0xF7A;
	s5 =	simm.s32 @!p2 $0x0  }
0x1d: {  	s5 =	simm.s32 @p1 $0x1;
	p0 =	seq.s32 s7, s2  }
0x1e: {  	s7 =	smul.u32 @!p0 $0xF7A, s2;
	p2 =	seq.s32 @!p0 s5, $0x0  }
0x1f: {  	s9 =	smul.u32 $0xF7A, s1;
	s8 =	simm.s32 @!p0 $0x1BF5;
	p2 =	por !p2, p0  }
0x20: {  	[sflag:s8] =	ssyncset.s32 @!p0 $0xFFFFF086;
	s6 =	sadd.s32 @!p0 s3, s7;
	s7 =	simm.s32 @!p0 $0x108  }
0x21: {  	s3 =	sadd.s32 s3, s9;
	s6 =	sadd.s32 @!p0 $0x88, s6;
	s7 =	simm.s32 @p2 $0x1082  }
0x22: {  	[simem:s7], [sflag:s8] =	dma.local @!p0 [hbm:s6], $0xF7A  }
0x23: {  	s9 =	sor.u32 $0xD0000000, s2;
	s6 =	simm.s32 $0x108;
	_ =	swait.ge @!p0 [sflag:s8], $0x0  }
0x24: {  	s3 =	sadd.s32 $0x88, s3;
	s6 =	simm.s32 @!p1 $0x1082;
	[sflag:s4] =	ssyncset.s32 $0xFFFFF086  }
0x25: {  	[simem:s6], [sflag:s4] =	dma.local [hbm:s3], $0xF7A  }
0x26: {  	[smem:$0x3F9B] =	sst s1;
	(tag) =	ssettag s2;
	_ =	strace s9  }
0x27: {  	s1 =	sld [smem:$0x3FAB]  }
0x28: {  	s2 =	sld [smem:$0x3FAC]  }
0x29: {  	s4 =	sld [smem:$0x3FAE]  }
0x2a: {  	p0 =	seq.s32 s5, $0x0;
	s5 =	sld [smem:$0x3FAF]  }
0x2b: {  	s6 =	sld [smem:$0x3FB0]  }
0x2c: {  	s7 =	sld [smem:$0x3FB1]  }
0x2d: {  	s3 =	simm.s32 $0x108;
	s8 =	sld [smem:$0x3FB2]  }
0x2e: {  	s3 =	simm.s32 @!p0 $0x1082;
	s9 =	sld [smem:$0x3FB3]  }
0x2f: {  	lr =	sadd.s32 s0, s3;
	s0 =	sld [smem:$0x3FAA]  }
0x30: {  	s3 =	sld [smem:$0x3FAD]  }
0x31: {  	[smem:$0x3FB6] =	sst s10  }
0x32: {  	s10 =	sld [smem:$0x3FB4];
	_ =	sdelay $0x3  }
0x33: {  	p0 =	seq.s32 s10, $0x1;
	s10 =	sld [smem:$0x3FB6];
	_ =	sdelay $0x3  }
0x34: {  	[smem:$0x3FB6] =	sst s10  }
0x35: {  	s10 =	sld [smem:$0x3FB5];
	_ =	sdelay $0x3  }
0x36: {  	p1 =	seq.s32 s10, $0x1;
	s10 =	sld [smem:$0x3FB6];
	_ =	sdelay $0x3  }
0x37: {  	[smem:$0x3FB6] =	sst s10  }
0x38: {  	s10 =	sld [smem:$0x3FB7]  }
0x39: {  	_ = 	snop;
	(pc) =	sbr.ind lr, $3  }
0x3a: {  	_ = 	snop  }
0x3b: {  	_ = 	snop  }
0x3c: {  	p2 =	seq.s32 s10, $0x1;
	s10 =	sld [smem:$0x3FB6]  }
0x3d: {  	_ =	shalt  }
0x3e: {  	_ =	shalt  }
0x3f: {  	_ =	shalt  }
0x40: {  	_ =	shalt  }
0x41: {  	_ =	shalt  }
0x42: {  	_ =	shalt  }
0x43: {  	_ =	shalt  }
0x44: {  	_ =	shalt  }
0x45: {  	_ =	shalt  }
0x46: {  	_ =	shalt  }
0x47: {  	_ =	shalt  }
0x48: {  	_ =	shalt  }
0x49: {  	_ =	shalt  }
0x4a: {  	_ =	shalt  }
0x4b: {  	_ =	shalt  }
0x4c: {  	_ =	shalt  }
0x4d: {  	_ =	shalt  }
0x4e: {  	_ =	shalt  }
0x4f: {  	_ =	shalt  }
0x50: {  	_ =	shalt  }
0x51: {  	_ =	shalt  }
0x52: {  	_ =	shalt  }
0x53: {  	_ =	shalt  }
0x54: {  	_ =	shalt  }
0x55: {  	_ =	shalt  }
0x56: {  	_ =	shalt  }
0x57: {  	_ =	shalt  }
0x58: {  	_ =	shalt  }
0x59: {  	_ =	shalt  }
0x5a: {  	_ =	shalt  }
0x5b: {  	_ =	shalt  }
0x5c: {  	_ =	shalt  }
0x5d: {  	_ =	shalt  }
0x5e: {  	_ =	shalt  }
0x5f: {  	_ =	shalt  }
0x60: {  	_ =	shalt  }
0x61: {  	_ =	shalt  }
0x62: {  	_ =	shalt  }
0x63: {  	_ =	shalt  }
0x64: {  	_ =	shalt  }
0x65: {  	_ =	shalt  }
0x66: {  	_ =	shalt  }
0x67: {  	_ =	shalt  }
0x68: {  	_ =	shalt  }
0x69: {  	_ =	shalt  }
0x6a: {  	_ =	shalt  }
0x6b: {  	_ =	shalt  }
0x6c: {  	_ =	shalt  }
0x6d: {  	_ =	shalt  }
0x6e: {  	_ =	shalt  }
0x6f: {  	_ =	shalt  }
0x70: {  	_ =	shalt  }
0x71: {  	_ =	shalt  }
0x72: {  	_ =	shalt  }
0x73: {  	_ =	shalt  }
0x74: {  	_ =	shalt  }
0x75: {  	_ =	shalt  }
0x76: {  	_ =	shalt  }
0x77: {  	_ =	shalt  }
0x78: {  	_ =	shalt  }
0x79: {  	_ =	shalt  }
0x7a: {  	_ =	shalt  }
0x7b: {  	_ =	shalt  }
0x7c: {  	_ =	shalt  }
0x7d: {  	_ =	shalt  }
0x7e: {  	_ =	shalt  }
0x7f: {  	_ =	shalt  }
0x80: {  	_ =	shalt  }
0x81: {  	_ =	shalt  }
0x82: {  	_ =	shalt  }
0x83: {  	_ =	shalt  }
0x84: {  	_ =	shalt  }
0x85: {  	_ =	shalt  }
0x86: {  	_ =	shalt  }
0x87: {  	_ =	shalt  }
.Lfunc_end0:
.L_simem_size_0:
called_computation_lowered:
.L_overlay_start_0:
0x88: {  	s2 =	sld [smem:$0x3FD9]  }
0x89: {  	s3 =	sld [smem:$0x3FFE];
	_ =	sdelay $0x1  }
0x8a: {  	s1 =	srdreg.scid  }
0x8b: {  	s0 =	sand.u32 $0x1, s1  }
0x8c: {  	s17 =	sshll.u32 s0, $0xA;
	s2 =	sadd.s32 s3, s2  }
0x8d: {  	s2 =	sadd.s32 s2, s17  }
0x8e: {  	[smem:$0x3FC2] =	sst s2  }
0x8f: {  	_ = 	snop  }
0x90: {  	s2 =	sld [smem:$0x3FD0];
	(tm) =	ssettm $0x1  }
0x91: {  	s18 =	sld [smem:$0x3FFB];
	_ =	sdelay $0x3  }
0x92: {  	_ =	strace s18  }
0x93: {  	s3 =	sld [smem:$0x3FFC];
	_ =	sdelay $0x3  }
0x94: {  	_ =	strace s3  }
0x95: {  	s3 =	sld [smem:$0x3FFD];
	_ =	sdelay $0x3  }
0x96: {  	_ =	strace s3  }
0x97: {  	_ =	strace $0x8FFFFFFF  }
0x98: {  	s19 =	sld [smem:$0x3FDB];
	_ =	sdelay $0x1  }
0x99: {  	s4 =	simm.s32 $_scs_section_size  }
0x9a: {  	s5 =	simm.s32 $_size__tile_overlayer_lowered;
	s6 =	simm.s32 $_tile_overlayer_lowered  }
0x9b: {  	s22 =	simm.s32 $0x1BFF;
	s21 =	sshll.u32 s6, $0x1;
	s3 =	sadd.s32 s4, s19  }
0x9c: {  	s7 =	simm.s32 $0x0;
	s20 =	sshll.u32 s5, $0x1;
	s5 =	sadd.s32 s21, s3  }
0x9d: {  	[timem:s7], [sflag:s22] =	dma.local [hbm:s5], s20  }
0x9e: {  	_ =	swait.ge [sflag:s22], s20  }
0x9f: {  	s4 =	ssub.s32 $0x0, s20;
	[sflag:s22] =	ssyncset.done $0x0  }
0xa0: {  	[sflag:s22] =	ssyncadd.s32 s4;
	_ =	sdelay $0x1  }
0xa1: {  	s23 =	simm.s32 $0x1B8B  }
0xa2: {  	_ =	swait.ge [sflag:s23], $0x1  }
0xa3: {  	[sflag:s23] =	ssyncset.done $0x0  }
0xa4: {  	s25 =	simm.s32 $0x1B8E;
	s24 =	sld [smem:$0x3FFE];
	[sflag:s23] =	ssyncadd.s32 $0xFFFFFFFF  }
0xa5: {  	s26 =	simm.s32 $execute0_lowered;
	[smem:$0x3FD2] =	sst s25  }
0xa6: {  	s5 =	sshll.u32 s26, $0x1;
	_ =	strace $0x80000046;
	[dreg:$0x1] =	wrdreg $0xFFFFFFFF  }
0xa7: {  	s28 =	simm.s32 $_size_execute0_lowered;
	s3 =	sadd.s32 s3, s5;
	[dreg:$0x0] =	wrdreg $0x0  }
0xa8: {  	s5 =	sshll.u32 s28, $0x1;
	[dreg:$0x2] =	wrdreg s3  }
0xa9: {  	[dreg:$0x3] =	wrdreg s5  }
0xaa: {  	[dreg:$0x4] =	wrdreg $0xC0  }
0xab: {  	_ =	task [dreg:s7], $0x5FFFF  }
0xac: {  	[dreg:$0x1] =	wrdreg $0xFFFFFFFF  }
0xad: {  	[dreg:$0x0] =	wrdreg $0x60  }
0xae: {  	[dreg:$0x2] =	wrdreg s2  }
0xaf: {  	[dreg:$0x3] =	wrdreg s24  }
0xb0: {  	[dreg:$0x4] =	wrdreg $0x9  }
0xb1: {  	_ =	task.clear_ibuf [dreg:s7], $0x5FFFF;
	_ =	strace $0x90000046  }
0xb2: {  	s29 =	simm.s32 $0x9;
	_ =	strace $0x80000048  }
0xb3: {  	_ =	swait.ge [sflag:s29], $0x1  }
0xb4: {  	[sflag:s29] =	ssyncadd.s32 $0xFFFFFFFF  }
0xb5: {  	_ =	strace $0x90000048  }
0xb6: {  	_ =	sfence  }
0xb7: {  	s30 =	sld [smem:$0x0];
	_ =	sdelay $0x2  }
0xb8: {  	s31 =	sshll.u32 s1, $0xD;
	s1 =	sshrl.u32 s1, $0x2  }
0xb9: {  	s3 =	sand.u32 $0x4000, s31;
	s1 =	sadd.s32 s1, s30  }
0xba: {  	s0 =	sor.u32 s3, s0;
	s1 =	sshll.u32 s1, $0x11  }
0xbb: {  	s0 =	sor.u32 s1, s0  }
0xbc: {  	s0 =	sadd.s32 $0x8F2B, s0  }
0xbd: {  	[sflag:s0] =	ssyncadd.remote.s32 $0x1  }
0xbe: {  	_ =	sfence.sel $0xFFFF  }
0xbf: {  	[dreg:$0x0] =	wrdreg $0xFFFFFFFF;
	(pc) =	sbr.abs _section_cstart, $3  }
0xc0: {  	[dreg:$0x1] =	wrdreg $0xFFFFFFFF  }
0xc1: {  	_ =	task.clear_ibuf [dreg:s7], $0x2FFFF;
	_ =	strace $0x9FFFFFFF  }
0xc2: {  	(tm) =	ssettm $0x7FFFFFFF  }
0xc3: {  	_ =	shalt  }
tec
execute0_lowered:
.L_overlay_start_1:
0x0: {  	(tag) =	ssettag $0x1  }
0x1: {  	s1 =	srdreg.scid  }
0x2: {  	s0 =	stileid.u32;
	s4 =	rddreg [dreg:$0x0]  }
0x3: {  	s6 =	rddreg [dreg:$0x1];
	s3 =	sand.u32 $0x1, s1;
	s29 =	sshll.u32 s0, $0x1  }
0x4: {  	s2 =	simm.s32 $0x0;
	s30 =	sshrl.u32 s0, $0x2;
	s5 =	sor.u32 s3, s29  }
0x5: {  	s9 =	simm.s32 $0x400;
	s7 =	smul.u32 $0x14000, s30;
	s8 =	sshll.u32 s5, $0x7  }
0x6: {  	s10 =	simm.s32 $0x0;
	s1 =	rddreg [dreg:$0x2];
	s8 =	sand.u32 $0x380, s8  }
0x7: {  	[smem:$0x7FF] =	sst s2;
	s3 =	ssub.s32 $0x2, s3;
	s7 =	sor.u32 s7, s8  }
0x8: {  	_ =	strace $0x80000047;
	s5 =	smul.u32 $0x500, s5;
	s7 =	sshrl.u32 s7, $0x3  }
0x9: {  	s31 =	sshrl.u32 s3, $0x1;
	s8 =	simm.s32 $0x80;
	s6 =	sadd.s32 s7, s6  }
0xa: {  	s7 =	ssub.s32 s3, s31;
	s3 =	sadd.s32 s4, s5;
	s4 =	sadd.s32 $0x2C00, s6  }
0xb: {  	v0 =	vimm.f32 $0.0e+00;
	v1 =	vimm.f32 $1.000000000e+00;
	s5 =	smax.u32 s7, $0x1;
	s6 =	simm.s32 $0x1;
	s7 =	simm.s32 $0x2800  }
.LBB2_1:
0xc: {  	[tilespmem:s2], [sflag:$0x1] =	stream.linear.gather [hbm4b:s3+s2], $0x2800, $0x38;
	[tilespmem:$0x5000] =	vst v63  }
0xd: {  	_ =	swait.ge [sflag:s6], $0x2800  }
0xe: {  	[sflag:s6] =	ssyncset.done $0x0  }
0xf: {  	s11 =	simm.s32 $0x0;
	[sflag:s6] =	ssyncadd.s32 $0xFFFFD800  }
.LBB2_2:
0x10: {  	p0 =	sne.s32 s11, $0x9FC0  }
.Ltmp0:
0x11: {  	_ = 	snop;
	(pc) =	sbr.rel @p0 .LBB2_2-.Ltmp0, $3  }
0x12: {  	_ =	sdelay $0x1  }
0x13: {  	s12 =	sshra.s32 s11, $0x2  }
0x14: {  	s11 =	sadd.s32 $0x40, s11;
	[tilespmem:s12+$0x2800] =	vst v0  }
0x15: {  	s12 =	simm.s32 $0x0;
	s11 =	simm.s32 $0x40  }
.LBB2_4:
0x16: {  	p0 =	sne.s32 s11, $0x9FC0;
	v2 =	vld [tilespmem:s12+$0x0];
	_ =	sdelay $0x3  }
.Ltmp1:
0x17: {  	(pc) =	sbr.rel @p0 .LBB2_4-.Ltmp1, $2  }
0x18: {  	_ =	sdelay $0x2  }
0x19: {  	s12 =	sshra.s32 s11, $0x2;
	s11 =	sadd.s32 $0x40, s11;
	[tilespmem:v2+s7+$0x0] =	vst.idx.add.f32.msk $0xffff, v1  }
0x1a: {  	v2 =	vld [tilespmem:s12+$0x0];
	_ =	sdelay $0x5  }
0x1b: {  	s10 =	sadd.s32 $0x1, s10  }
0x1c: {  	p0 =	sne.s32 s10, s5  }
.Ltmp2:
0x1d: {  	[tilespmem:v2+s7+$0x0] =	vst.idx.add.f32.msk $0xffff, v1;
	(pc) =	sbr.rel @p0 .LBB2_1-.Ltmp2, $4  }
0x1e: {  	[hbm4b:s4+s8] =	stream.strided.scatter [tilespmem:s7], [sflag:$0x1], $0x2800, s9, s8, $0x38;
	[tilespmem:$0x5000] =	vst v63  }
0x1f: {  	_ =	swait.ge [sflag:s6], $0x2800  }
0x20: {  	[sflag:s6] =	ssyncset.done $0x0  }
0x21: {  	[sflag:s6] =	ssyncadd.s32 $0xFFFFD800  }
0x22: {  	_ =	sfence.sel $0x180000  }
0x23: {  	[bflag:$0x0] =	sbarrier.arrive $0xFFFF  }
0x24: {  	p0 =	sne.s32 s0, $0x0;
	_ =	strace $0x90000047  }
0x25: {  	s0 =	sadd.s32 @!p0 $0x100000, s1;
	[bflag:$0x2] =	sbarrier.arrive $0xFFFF  }
0x26: {  	[sflag:s0] =	ssyncadd.tile.s32 @!p0 $0x1;
	_ =	shalt  }
.Lfunc_end2:
_tile_overlayer_lowered:
.L_overlay_start_2:
0x27: {  	(tag) =	ssettag $0x2  }
0x28: {  	s0 =	rddreg [dreg:$0x0];
	s2 =	stileid.u32  }
0x29: {  	s1 =	rddreg [dreg:$0x1];
	p0 =	sne.s32 s2, $0x0  }
0x2a: {  	s3 =	rddreg [dreg:$0x2];
	[bflag:$0x3] =	sbarrier.arrive $0xFFFF;
	s2 =	simm.s32 @!p0 $0x1C01  }
0x2b: {  	[timem:s3], [sflag:s2] =	dma.local @!p0 [hbm:s0], s1  }
0x2c: {  	s0 =	simm.s32 @!p0 $0x1  }
0x2d: {  	_ =	swait.ge @!p0 [sflag:s0], s1  }
0x2e: {  	s1 =	ssub.s32 @!p0 $0x0, s1;
	[sflag:s0] =	ssyncset.done @!p0 $0x0  }
0x2f: {  	[sflag:s0] =	ssyncadd.s32 @!p0 s1  }
0x30: {  	[bflag:$0x3] =	sbarrier.arrive $0xFFFF  }
0x31: {  	_ =	shalt  }

</sc_bundles>
